<compile_context>
chip_gen: v7x
topology: tpu7x:2x2x1
jax: 0.10.2.dev20260603
libtpu: 0.0.44.dev20260713+nightly
codegen_flags: <defaults>
</compile_context>

<pallas_src>
import jax
import jax.numpy as jnp
from jax import lax
from jax.experimental import pallas as pl
from jax.experimental.pallas import tpu as pltpu
from jax.experimental.pallas import tpu_sc as plsc

_NUM_CORES = 2

_ROWS = 16
_COLS = 1_000_000
_LAST = _COLS % 128

_NBUF = 3
_BLKC = 32_768
_CHUNK = 499_968


def _blocks(total, max_blk):
    plan, off = [], 0
    while off < total:
        w = min(max_blk, total - off)
        plan.append((off, w))
        off += w
    return plan


def _copy_body(table_hbm, out_hbm, bufs, tail_buf, rsems, wsems):
    cid = lax.axis_index("c")
    base = cid * _CHUNK

    def read(i, off, width):
        return pltpu.async_copy(
            table_hbm.at[:, pl.ds(base + off, width)],
            bufs[i % _NBUF].at[:, pl.ds(0, width)],
            rsems[i % _NBUF],
        )

    def write(i, off, width):
        return pltpu.async_copy(
            bufs[i % _NBUF].at[:, pl.ds(0, width)],
            out_hbm.at[:, pl.ds(base + off, width)],
            wsems[i % _NBUF],
        )

    plan = _blocks(_CHUNK, _BLKC)
    n = len(plan)
    rd = [None] * n
    wr = [None] * n
    for i in range(min(_NBUF, n)):
        rd[i] = read(i, *plan[i])
    for i in range(n):
        rd[i].wait()
        wr[i] = write(i, *plan[i])
        if i + _NBUF < n:
            wr[i].wait()
            rd[i + _NBUF] = read(i + _NBUF, *plan[i + _NBUF])
    for i in range(max(n - _NBUF, 0), n):
        wr[i].wait()

    if _LAST:
        off = _COLS - _LAST

        @pl.when(cid == _NUM_CORES - 1)
        def _():
            pltpu.sync_copy(table_hbm.at[:, pl.ds(off, _LAST)], tail_buf)
            pltpu.sync_copy(tail_buf, out_hbm.at[:, pl.ds(off, _LAST)])


def kernel(embed_node):
    xt = embed_node.T
    mesh = plsc.ScalarSubcoreMesh(axis_name="c", num_cores=_NUM_CORES)
    fn = pl.kernel(
        _copy_body,
        out_type=jax.ShapeDtypeStruct(xt.shape, xt.dtype),
        mesh=mesh,
        scratch_types=[
            [pltpu.VMEM_SHARED((_ROWS, _BLKC), jnp.float32) for _ in range(_NBUF)],
            pltpu.VMEM_SHARED((_ROWS, _LAST), jnp.float32),
            [pltpu.SemaphoreType.DMA for _ in range(_NBUF)],
            [pltpu.SemaphoreType.DMA for _ in range(_NBUF)],
        ],
        compiler_params=pltpu.CompilerParams(use_tc_tiling_on_sc=True),
    )
    return fn(xt).T

# --- scband reference (transcript-rebuilt; emitter-appended) ---
"""Pipeline reference for scband-rel-graph-embed-25606595019028 (READ-ONLY COPY).

The authoritative reference and input builder live on the scoring server;
editing this copy changes nothing except your own understanding.
"""

import jax, jax.numpy as jnp
import numpy as np

NUM_NODES = 1000000
EMBED_SIZE = 16

def _xavier_uniform(key, shape, gain):
    # torch nn.init.xavier_uniform_ for a 2D tensor: fan_in=shape[1], fan_out=shape[0]
    fan_in, fan_out = shape[1], shape[0]
    bound = gain * np.sqrt(6.0 / (fan_in + fan_out))
    return jax.random.uniform(key, shape, minval=-bound, maxval=bound, dtype=jnp.float32)

def setup_inputs(seed: int = 0) -> dict:
    key = jax.random.key(seed)
    gain = float(np.sqrt(2.0))  # calculate_gain('relu')
    embed_node = _xavier_uniform(key, (NUM_NODES, EMBED_SIZE), gain)
    return {"embed_node": embed_node}

def reference(embed_node):
    # RelGraphEmbed.forward() simply returns the ParameterDict of per-ntype
    # embedding tables. With a single node type ('node'), the faithful output
    # is that table itself (activation=None, dropout not applied in forward).
    return embed_node

if __name__ == "__main__":
    import jax
    _d = setup_inputs()
    print(jax.jit(kernel)(*tuple(_d.values())))

</pallas_src>

<mosaic_0001>
#map = affine_map<(d0) -> (0, 0)>
module attributes {stable_mosaic.version = 14 : i64} {
  func.func @_copy_body(%arg0: i32, %arg1: memref<16x1000000xf32, #tpu.memory_space<hbm>>, %arg2: memref<16x1000000xf32, #tpu.memory_space<hbm>>, %arg3: memref<16x32768xf32, #tpu.memory_space<vmem_shared>>, %arg4: memref<16x32768xf32, #tpu.memory_space<vmem_shared>>, %arg5: memref<16x32768xf32, #tpu.memory_space<vmem_shared>>, %arg6: memref<16x64xf32, #tpu.memory_space<vmem_shared>>, %arg7: memref<!tpu.dma_semaphore, #tpu.memory_space<semaphore_mem>>, %arg8: memref<!tpu.dma_semaphore, #tpu.memory_space<semaphore_mem>>, %arg9: memref<!tpu.dma_semaphore, #tpu.memory_space<semaphore_mem>>, %arg10: memref<!tpu.dma_semaphore, #tpu.memory_space<semaphore_mem>>, %arg11: memref<!tpu.dma_semaphore, #tpu.memory_space<semaphore_mem>>, %arg12: memref<!tpu.dma_semaphore, #tpu.memory_space<semaphore_mem>>) attributes {dimension_semantics = [#tpu.dimension_semantics<core_parallel>], iteration_bounds = array<i64: 2>, scalar_prefetch = 0 : i64, scratch_operands = 10 : i64, tpu.core_type = #tpu.core_type<sc_scalar_subcore>, window_params = [{transform_indices = #map}, {transform_indices = #map}]} {
    %mul3A = arith.constant 499968 : i32
    %mul3A_0 = arith.muli %arg0, %mul3A : i32
    %add3A = arith.constant 0 : i32
    %add3A_1 = arith.addi %mul3A_0, %add3A : i32
    %dma_start3A = arith.constant 0 : i32
    %dma_start3A_2 = arith.constant 0 : i32
    %dma_start3A_3 = tpu.memref_slice %arg3[%dma_start3A, %dma_start3A_2] : memref<16x32768xf32, #tpu.memory_space<vmem_shared>> -> memref<16x32768xf32, #tpu.memory_space<vmem_shared>>
    %dma_start3A_4 = arith.constant 0 : i32
    %dma_start3A_5 = tpu.memref_slice %arg1[%dma_start3A_4, %add3A_1] : memref<16x1000000xf32, #tpu.memory_space<hbm>> -> memref<16x32768xf32, #tpu.memory_space<hbm>>
    tpu.enqueue_dma source(%dma_start3A_5 : memref<16x32768xf32, #tpu.memory_space<hbm>>) target(%dma_start3A_3 : memref<16x32768xf32, #tpu.memory_space<vmem_shared>>) target_semaphore(%arg7 : memref<!tpu.dma_semaphore, #tpu.memory_space<semaphore_mem>>)
    %add3A_6 = arith.constant 32768 : i32
    %add3A_7 = arith.addi %mul3A_0, %add3A_6 : i32
    %dma_start3A_8 = arith.constant 0 : i32
    %dma_start3A_9 = arith.constant 0 : i32
    %dma_start3A_10 = tpu.memref_slice %arg4[%dma_start3A_8, %dma_start3A_9] : memref<16x32768xf32, #tpu.memory_space<vmem_shared>> -> memref<16x32768xf32, #tpu.memory_space<vmem_shared>>
    %dma_start3A_11 = arith.constant 0 : i32
    %dma_start3A_12 = tpu.memref_slice %arg1[%dma_start3A_11, %add3A_7] : memref<16x1000000xf32, #tpu.memory_space<hbm>> -> memref<16x32768xf32, #tpu.memory_space<hbm>>
    tpu.enqueue_dma source(%dma_start3A_12 : memref<16x32768xf32, #tpu.memory_space<hbm>>) target(%dma_start3A_10 : memref<16x32768xf32, #tpu.memory_space<vmem_shared>>) target_semaphore(%arg8 : memref<!tpu.dma_semaphore, #tpu.memory_space<semaphore_mem>>)
    %add3A_13 = arith.constant 65536 : i32
    %add3A_14 = arith.addi %mul3A_0, %add3A_13 : i32
    %dma_start3A_15 = arith.constant 0 : i32
    %dma_start3A_16 = arith.constant 0 : i32
    %dma_start3A_17 = tpu.memref_slice %arg5[%dma_start3A_15, %dma_start3A_16] : memref<16x32768xf32, #tpu.memory_space<vmem_shared>> -> memref<16x32768xf32, #tpu.memory_space<vmem_shared>>
    %dma_start3A_18 = arith.constant 0 : i32
    %dma_start3A_19 = tpu.memref_slice %arg1[%dma_start3A_18, %add3A_14] : memref<16x1000000xf32, #tpu.memory_space<hbm>> -> memref<16x32768xf32, #tpu.memory_space<hbm>>
    tpu.enqueue_dma source(%dma_start3A_19 : memref<16x32768xf32, #tpu.memory_space<hbm>>) target(%dma_start3A_17 : memref<16x32768xf32, #tpu.memory_space<vmem_shared>>) target_semaphore(%arg9 : memref<!tpu.dma_semaphore, #tpu.memory_space<semaphore_mem>>)
    %dma_wait3A = arith.constant 0 : i32
    %dma_wait3A_20 = arith.constant 0 : i32
    %dma_wait3A_21 = tpu.memref_slice %arg3[%dma_wait3A, %dma_wait3A_20] : memref<16x32768xf32, #tpu.memory_space<vmem_shared>> -> memref<16x32768xf32, #tpu.memory_space<vmem_shared>>
    %dma_wait3A_22 = arith.constant 0 : i32
    %dma_wait3A_23 = tpu.memref_slice %arg1[%dma_wait3A_22, %add3A_1] : memref<16x1000000xf32, #tpu.memory_space<hbm>> -> memref<16x32768xf32, #tpu.memory_space<hbm>>
    tpu.wait_dma2 semaphore(%arg7 : memref<!tpu.dma_semaphore, #tpu.memory_space<semaphore_mem>>) src(%dma_wait3A_23 : memref<16x32768xf32, #tpu.memory_space<hbm>>) dst(%dma_wait3A_21 : memref<16x32768xf32, #tpu.memory_space<vmem_shared>>)
    %add3A_24 = arith.constant 0 : i32
    %add3A_25 = arith.addi %mul3A_0, %add3A_24 : i32
    %dma_start3A_26 = arith.constant 0 : i32
    %dma_start3A_27 = tpu.memref_slice %arg2[%dma_start3A_26, %add3A_25] : memref<16x1000000xf32, #tpu.memory_space<hbm>> -> memref<16x32768xf32, #tpu.memory_space<hbm>>
    %dma_start3A_28 = arith.constant 0 : i32
    %dma_start3A_29 = arith.constant 0 : i32
    %dma_start3A_30 = tpu.memref_slice %arg3[%dma_start3A_28, %dma_start3A_29] : memref<16x32768xf32, #tpu.memory_space<vmem_shared>> -> memref<16x32768xf32, #tpu.memory_space<vmem_shared>>
    tpu.enqueue_dma source(%dma_start3A_30 : memref<16x32768xf32, #tpu.memory_space<vmem_shared>>) target(%dma_start3A_27 : memref<16x32768xf32, #tpu.memory_space<hbm>>) target_semaphore(%arg10 : memref<!tpu.dma_semaphore, #tpu.memory_space<semaphore_mem>>)
    %dma_wait3A_31 = arith.constant 0 : i32
    %dma_wait3A_32 = tpu.memref_slice %arg2[%dma_wait3A_31, %add3A_25] : memref<16x1000000xf32, #tpu.memory_space<hbm>> -> memref<16x32768xf32, #tpu.memory_space<hbm>>
    %dma_wait3A_33 = arith.constant 0 : i32
    %dma_wait3A_34 = arith.constant 0 : i32
    %dma_wait3A_35 = tpu.memref_slice %arg3[%dma_wait3A_33, %dma_wait3A_34] : memref<16x32768xf32, #tpu.memory_space<vmem_shared>> -> memref<16x32768xf32, #tpu.memory_space<vmem_shared>>
    tpu.wait_dma2 semaphore(%arg10 : memref<!tpu.dma_semaphore, #tpu.memory_space<semaphore_mem>>) src(%dma_wait3A_35 : memref<16x32768xf32, #tpu.memory_space<vmem_shared>>) dst(%dma_wait3A_32 : memref<16x32768xf32, #tpu.memory_space<hbm>>)
    %add3A_36 = arith.constant 98304 : i32
    %add3A_37 = arith.addi %mul3A_0, %add3A_36 : i32
    %dma_start3A_38 = arith.constant 0 : i32
    %dma_start3A_39 = arith.constant 0 : i32
    %dma_start3A_40 = tpu.memref_slice %arg3[%dma_start3A_38, %dma_start3A_39] : memref<16x32768xf32, #tpu.memory_space<vmem_shared>> -> memref<16x32768xf32, #tpu.memory_space<vmem_shared>>
    %dma_start3A_41 = arith.constant 0 : i32
    %dma_start3A_42 = tpu.memref_slice %arg1[%dma_start3A_41, %add3A_37] : memref<16x1000000xf32, #tpu.memory_space<hbm>> -> memref<16x32768xf32, #tpu.memory_space<hbm>>
    tpu.enqueue_dma source(%dma_start3A_42 : memref<16x32768xf32, #tpu.memory_space<hbm>>) target(%dma_start3A_40 : memref<16x32768xf32, #tpu.memory_space<vmem_shared>>) target_semaphore(%arg7 : memref<!tpu.dma_semaphore, #tpu.memory_space<semaphore_mem>>)
    %dma_wait3A_43 = arith.constant 0 : i32
    %dma_wait3A_44 = arith.constant 0 : i32
    %dma_wait3A_45 = tpu.memref_slice %arg4[%dma_wait3A_43, %dma_wait3A_44] : memref<16x32768xf32, #tpu.memory_space<vmem_shared>> -> memref<16x32768xf32, #tpu.memory_space<vmem_shared>>
    %dma_wait3A_46 = arith.constant 0 : i32
    %dma_wait3A_47 = tpu.memref_slice %arg1[%dma_wait3A_46, %add3A_7] : memref<16x1000000xf32, #tpu.memory_space<hbm>> -> memref<16x32768xf32, #tpu.memory_space<hbm>>
    tpu.wait_dma2 semaphore(%arg8 : memref<!tpu.dma_semaphore, #tpu.memory_space<semaphore_mem>>) src(%dma_wait3A_47 : memref<16x32768xf32, #tpu.memory_space<hbm>>) dst(%dma_wait3A_45 : memref<16x32768xf32, #tpu.memory_space<vmem_shared>>)
    %add3A_48 = arith.constant 32768 : i32
    %add3A_49 = arith.addi %mul3A_0, %add3A_48 : i32
    %dma_start3A_50 = arith.constant 0 : i32
    %dma_start3A_51 = tpu.memref_slice %arg2[%dma_start3A_50, %add3A_49] : memref<16x1000000xf32, #tpu.memory_space<hbm>> -> memref<16x32768xf32, #tpu.memory_space<hbm>>
    %dma_start3A_52 = arith.constant 0 : i32
    %dma_start3A_53 = arith.constant 0 : i32
    %dma_start3A_54 = tpu.memref_slice %arg4[%dma_start3A_52, %dma_start3A_53] : memref<16x32768xf32, #tpu.memory_space<vmem_shared>> -> memref<16x32768xf32, #tpu.memory_space<vmem_shared>>
    tpu.enqueue_dma source(%dma_start3A_54 : memref<16x32768xf32, #tpu.memory_space<vmem_shared>>) target(%dma_start3A_51 : memref<16x32768xf32, #tpu.memory_space<hbm>>) target_semaphore(%arg11 : memref<!tpu.dma_semaphore, #tpu.memory_space<semaphore_mem>>)
    %dma_wait3A_55 = arith.constant 0 : i32
    %dma_wait3A_56 = tpu.memref_slice %arg2[%dma_wait3A_55, %add3A_49] : memref<16x1000000xf32, #tpu.memory_space<hbm>> -> memref<16x32768xf32, #tpu.memory_space<hbm>>
    %dma_wait3A_57 = arith.constant 0 : i32
    %dma_wait3A_58 = arith.constant 0 : i32
    %dma_wait3A_59 = tpu.memref_slice %arg4[%dma_wait3A_57, %dma_wait3A_58] : memref<16x32768xf32, #tpu.memory_space<vmem_shared>> -> memref<16x32768xf32, #tpu.memory_space<vmem_shared>>
    tpu.wait_dma2 semaphore(%arg11 : memref<!tpu.dma_semaphore, #tpu.memory_space<semaphore_mem>>) src(%dma_wait3A_59 : memref<16x32768xf32, #tpu.memory_space<vmem_shared>>) dst(%dma_wait3A_56 : memref<16x32768xf32, #tpu.memory_space<hbm>>)
    %add3A_60 = arith.constant 131072 : i32
    %add3A_61 = arith.addi %mul3A_0, %add3A_60 : i32
    %dma_start3A_62 = arith.constant 0 : i32
    %dma_start3A_63 = arith.constant 0 : i32
    %dma_start3A_64 = tpu.memref_slice %arg4[%dma_start3A_62, %dma_start3A_63] : memref<16x32768xf32, #tpu.memory_space<vmem_shared>> -> memref<16x32768xf32, #tpu.memory_space<vmem_shared>>
    %dma_start3A_65 = arith.constant 0 : i32
    %dma_start3A_66 = tpu.memref_slice %arg1[%dma_start3A_65, %add3A_61] : memref<16x1000000xf32, #tpu.memory_space<hbm>> -> memref<16x32768xf32, #tpu.memory_space<hbm>>
    tpu.enqueue_dma source(%dma_start3A_66 : memref<16x32768xf32, #tpu.memory_space<hbm>>) target(%dma_start3A_64 : memref<16x32768xf32, #tpu.memory_space<vmem_shared>>) target_semaphore(%arg8 : memref<!tpu.dma_semaphore, #tpu.memory_space<semaphore_mem>>)
    %dma_wait3A_67 = arith.constant 0 : i32
    %dma_wait3A_68 = arith.constant 0 : i32
    %dma_wait3A_69 = tpu.memref_slice %arg5[%dma_wait3A_67, %dma_wait3A_68] : memref<16x32768xf32, #tpu.memory_space<vmem_shared>> -> memref<16x32768xf32, #tpu.memory_space<vmem_shared>>
    %dma_wait3A_70 = arith.constant 0 : i32
    %dma_wait3A_71 = tpu.memref_slice %arg1[%dma_wait3A_70, %add3A_14] : memref<16x1000000xf32, #tpu.memory_space<hbm>> -> memref<16x32768xf32, #tpu.memory_space<hbm>>
    tpu.wait_dma2 semaphore(%arg9 : memref<!tpu.dma_semaphore, #tpu.memory_space<semaphore_mem>>) src(%dma_wait3A_71 : memref<16x32768xf32, #tpu.memory_space<hbm>>) dst(%dma_wait3A_69 : memref<16x32768xf32, #tpu.memory_space<vmem_shared>>)
    %add3A_72 = arith.constant 65536 : i32
    %add3A_73 = arith.addi %mul3A_0, %add3A_72 : i32
    %dma_start3A_74 = arith.constant 0 : i32
    %dma_start3A_75 = tpu.memref_slice %arg2[%dma_start3A_74, %add3A_73] : memref<16x1000000xf32, #tpu.memory_space<hbm>> -> memref<16x32768xf32, #tpu.memory_space<hbm>>
    %dma_start3A_76 = arith.constant 0 : i32
    %dma_start3A_77 = arith.constant 0 : i32
    %dma_start3A_78 = tpu.memref_slice %arg5[%dma_start3A_76, %dma_start3A_77] : memref<16x32768xf32, #tpu.memory_space<vmem_shared>> -> memref<16x32768xf32, #tpu.memory_space<vmem_shared>>
    tpu.enqueue_dma source(%dma_start3A_78 : memref<16x32768xf32, #tpu.memory_space<vmem_shared>>) target(%dma_start3A_75 : memref<16x32768xf32, #tpu.memory_space<hbm>>) target_semaphore(%arg12 : memref<!tpu.dma_semaphore, #tpu.memory_space<semaphore_mem>>)
    %dma_wait3A_79 = arith.constant 0 : i32
    %dma_wait3A_80 = tpu.memref_slice %arg2[%dma_wait3A_79, %add3A_73] : memref<16x1000000xf32, #tpu.memory_space<hbm>> -> memref<16x32768xf32, #tpu.memory_space<hbm>>
    %dma_wait3A_81 = arith.constant 0 : i32
    %dma_wait3A_82 = arith.constant 0 : i32
    %dma_wait3A_83 = tpu.memref_slice %arg5[%dma_wait3A_81, %dma_wait3A_82] : memref<16x32768xf32, #tpu.memory_space<vmem_shared>> -> memref<16x32768xf32, #tpu.memory_space<vmem_shared>>
    tpu.wait_dma2 semaphore(%arg12 : memref<!tpu.dma_semaphore, #tpu.memory_space<semaphore_mem>>) src(%dma_wait3A_83 : memref<16x32768xf32, #tpu.memory_space<vmem_shared>>) dst(%dma_wait3A_80 : memref<16x32768xf32, #tpu.memory_space<hbm>>)
    %add3A_84 = arith.constant 163840 : i32
    %add3A_85 = arith.addi %mul3A_0, %add3A_84 : i32
    %dma_start3A_86 = arith.constant 0 : i32
    %dma_start3A_87 = arith.constant 0 : i32
    %dma_start3A_88 = tpu.memref_slice %arg5[%dma_start3A_86, %dma_start3A_87] : memref<16x32768xf32, #tpu.memory_space<vmem_shared>> -> memref<16x32768xf32, #tpu.memory_space<vmem_shared>>
    %dma_start3A_89 = arith.constant 0 : i32
    %dma_start3A_90 = tpu.memref_slice %arg1[%dma_start3A_89, %add3A_85] : memref<16x1000000xf32, #tpu.memory_space<hbm>> -> memref<16x32768xf32, #tpu.memory_space<hbm>>
    tpu.enqueue_dma source(%dma_start3A_90 : memref<16x32768xf32, #tpu.memory_space<hbm>>) target(%dma_start3A_88 : memref<16x32768xf32, #tpu.memory_space<vmem_shared>>) target_semaphore(%arg9 : memref<!tpu.dma_semaphore, #tpu.memory_space<semaphore_mem>>)
    %dma_wait3A_91 = arith.constant 0 : i32
    %dma_wait3A_92 = arith.constant 0 : i32
    %dma_wait3A_93 = tpu.memref_slice %arg3[%dma_wait3A_91, %dma_wait3A_92] : memref<16x32768xf32, #tpu.memory_space<vmem_shared>> -> memref<16x32768xf32, #tpu.memory_space<vmem_shared>>
    %dma_wait3A_94 = arith.constant 0 : i32
    %dma_wait3A_95 = tpu.memref_slice %arg1[%dma_wait3A_94, %add3A_37] : memref<16x1000000xf32, #tpu.memory_space<hbm>> -> memref<16x32768xf32, #tpu.memory_space<hbm>>
    tpu.wait_dma2 semaphore(%arg7 : memref<!tpu.dma_semaphore, #tpu.memory_space<semaphore_mem>>) src(%dma_wait3A_95 : memref<16x32768xf32, #tpu.memory_space<hbm>>) dst(%dma_wait3A_93 : memref<16x32768xf32, #tpu.memory_space<vmem_shared>>)
    %add3A_96 = arith.constant 98304 : i32
    %add3A_97 = arith.addi %mul3A_0, %add3A_96 : i32
    %dma_start3A_98 = arith.constant 0 : i32
    %dma_start3A_99 = tpu.memref_slice %arg2[%dma_start3A_98, %add3A_97] : memref<16x1000000xf32, #tpu.memory_space<hbm>> -> memref<16x32768xf32, #tpu.memory_space<hbm>>
    %dma_start3A_100 = arith.constant 0 : i32
    %dma_start3A_101 = arith.constant 0 : i32
    %dma_start3A_102 = tpu.memref_slice %arg3[%dma_start3A_100, %dma_start3A_101] : memref<16x32768xf32, #tpu.memory_space<vmem_shared>> -> memref<16x32768xf32, #tpu.memory_space<vmem_shared>>
    tpu.enqueue_dma source(%dma_start3A_102 : memref<16x32768xf32, #tpu.memory_space<vmem_shared>>) target(%dma_start3A_99 : memref<16x32768xf32, #tpu.memory_space<hbm>>) target_semaphore(%arg10 : memref<!tpu.dma_semaphore, #tpu.memory_space<semaphore_mem>>)
    %dma_wait3A_103 = arith.constant 0 : i32
    %dma_wait3A_104 = tpu.memref_slice %arg2[%dma_wait3A_103, %add3A_97] : memref<16x1000000xf32, #tpu.memory_space<hbm>> -> memref<16x32768xf32, #tpu.memory_space<hbm>>
    %dma_wait3A_105 = arith.constant 0 : i32
    %dma_wait3A_106 = arith.constant 0 : i32
    %dma_wait3A_107 = tpu.memref_slice %arg3[%dma_wait3A_105, %dma_wait3A_106] : memref<16x32768xf32, #tpu.memory_space<vmem_shared>> -> memref<16x32768xf32, #tpu.memory_space<vmem_shared>>
    tpu.wait_dma2 semaphore(%arg10 : memref<!tpu.dma_semaphore, #tpu.memory_space<semaphore_mem>>) src(%dma_wait3A_107 : memref<16x32768xf32, #tpu.memory_space<vmem_shared>>) dst(%dma_wait3A_104 : memref<16x32768xf32, #tpu.memory_space<hbm>>)
    %add3A_108 = arith.constant 196608 : i32
    %add3A_109 = arith.addi %mul3A_0, %add3A_108 : i32
    %dma_start3A_110 = arith.constant 0 : i32
    %dma_start3A_111 = arith.constant 0 : i32
    %dma_start3A_112 = tpu.memref_slice %arg3[%dma_start3A_110, %dma_start3A_111] : memref<16x32768xf32, #tpu.memory_space<vmem_shared>> -> memref<16x32768xf32, #tpu.memory_space<vmem_shared>>
    %dma_start3A_113 = arith.constant 0 : i32
    %dma_start3A_114 = tpu.memref_slice %arg1[%dma_start3A_113, %add3A_109] : memref<16x1000000xf32, #tpu.memory_space<hbm>> -> memref<16x32768xf32, #tpu.memory_space<hbm>>
    tpu.enqueue_dma source(%dma_start3A_114 : memref<16x32768xf32, #tpu.memory_space<hbm>>) target(%dma_start3A_112 : memref<16x32768xf32, #tpu.memory_space<vmem_shared>>) target_semaphore(%arg7 : memref<!tpu.dma_semaphore, #tpu.memory_space<semaphore_mem>>)
    %dma_wait3A_115 = arith.constant 0 : i32
    %dma_wait3A_116 = arith.constant 0 : i32
    %dma_wait3A_117 = tpu.memref_slice %arg4[%dma_wait3A_115, %dma_wait3A_116] : memref<16x32768xf32, #tpu.memory_space<vmem_shared>> -> memref<16x32768xf32, #tpu.memory_space<vmem_shared>>
    %dma_wait3A_118 = arith.constant 0 : i32
    %dma_wait3A_119 = tpu.memref_slice %arg1[%dma_wait3A_118, %add3A_61] : memref<16x1000000xf32, #tpu.memory_space<hbm>> -> memref<16x32768xf32, #tpu.memory_space<hbm>>
    tpu.wait_dma2 semaphore(%arg8 : memref<!tpu.dma_semaphore, #tpu.memory_space<semaphore_mem>>) src(%dma_wait3A_119 : memref<16x32768xf32, #tpu.memory_space<hbm>>) dst(%dma_wait3A_117 : memref<16x32768xf32, #tpu.memory_space<vmem_shared>>)
    %add3A_120 = arith.constant 131072 : i32
    %add3A_121 = arith.addi %mul3A_0, %add3A_120 : i32
    %dma_start3A_122 = arith.constant 0 : i32
    %dma_start3A_123 = tpu.memref_slice %arg2[%dma_start3A_122, %add3A_121] : memref<16x1000000xf32, #tpu.memory_space<hbm>> -> memref<16x32768xf32, #tpu.memory_space<hbm>>
    %dma_start3A_124 = arith.constant 0 : i32
    %dma_start3A_125 = arith.constant 0 : i32
    %dma_start3A_126 = tpu.memref_slice %arg4[%dma_start3A_124, %dma_start3A_125] : memref<16x32768xf32, #tpu.memory_space<vmem_shared>> -> memref<16x32768xf32, #tpu.memory_space<vmem_shared>>
    tpu.enqueue_dma source(%dma_start3A_126 : memref<16x32768xf32, #tpu.memory_space<vmem_shared>>) target(%dma_start3A_123 : memref<16x32768xf32, #tpu.memory_space<hbm>>) target_semaphore(%arg11 : memref<!tpu.dma_semaphore, #tpu.memory_space<semaphore_mem>>)
    %dma_wait3A_127 = arith.constant 0 : i32
    %dma_wait3A_128 = tpu.memref_slice %arg2[%dma_wait3A_127, %add3A_121] : memref<16x1000000xf32, #tpu.memory_space<hbm>> -> memref<16x32768xf32, #tpu.memory_space<hbm>>
    %dma_wait3A_129 = arith.constant 0 : i32
    %dma_wait3A_130 = arith.constant 0 : i32
    %dma_wait3A_131 = tpu.memref_slice %arg4[%dma_wait3A_129, %dma_wait3A_130] : memref<16x32768xf32, #tpu.memory_space<vmem_shared>> -> memref<16x32768xf32, #tpu.memory_space<vmem_shared>>
    tpu.wait_dma2 semaphore(%arg11 : memref<!tpu.dma_semaphore, #tpu.memory_space<semaphore_mem>>) src(%dma_wait3A_131 : memref<16x32768xf32, #tpu.memory_space<vmem_shared>>) dst(%dma_wait3A_128 : memref<16x32768xf32, #tpu.memory_space<hbm>>)
    %add3A_132 = arith.constant 229376 : i32
    %add3A_133 = arith.addi %mul3A_0, %add3A_132 : i32
    %dma_start3A_134 = arith.constant 0 : i32
    %dma_start3A_135 = arith.constant 0 : i32
    %dma_start3A_136 = tpu.memref_slice %arg4[%dma_start3A_134, %dma_start3A_135] : memref<16x32768xf32, #tpu.memory_space<vmem_shared>> -> memref<16x32768xf32, #tpu.memory_space<vmem_shared>>
    %dma_start3A_137 = arith.constant 0 : i32
    %dma_start3A_138 = tpu.memref_slice %arg1[%dma_start3A_137, %add3A_133] : memref<16x1000000xf32, #tpu.memory_space<hbm>> -> memref<16x32768xf32, #tpu.memory_space<hbm>>
    tpu.enqueue_dma source(%dma_start3A_138 : memref<16x32768xf32, #tpu.memory_space<hbm>>) target(%dma_start3A_136 : memref<16x32768xf32, #tpu.memory_space<vmem_shared>>) target_semaphore(%arg8 : memref<!tpu.dma_semaphore, #tpu.memory_space<semaphore_mem>>)
    %dma_wait3A_139 = arith.constant 0 : i32
    %dma_wait3A_140 = arith.constant 0 : i32
    %dma_wait3A_141 = tpu.memref_slice %arg5[%dma_wait3A_139, %dma_wait3A_140] : memref<16x32768xf32, #tpu.memory_space<vmem_shared>> -> memref<16x32768xf32, #tpu.memory_space<vmem_shared>>
    %dma_wait3A_142 = arith.constant 0 : i32
    %dma_wait3A_143 = tpu.memref_slice %arg1[%dma_wait3A_142, %add3A_85] : memref<16x1000000xf32, #tpu.memory_space<hbm>> -> memref<16x32768xf32, #tpu.memory_space<hbm>>
    tpu.wait_dma2 semaphore(%arg9 : memref<!tpu.dma_semaphore, #tpu.memory_space<semaphore_mem>>) src(%dma_wait3A_143 : memref<16x32768xf32, #tpu.memory_space<hbm>>) dst(%dma_wait3A_141 : memref<16x32768xf32, #tpu.memory_space<vmem_shared>>)
    %add3A_144 = arith.constant 163840 : i32
    %add3A_145 = arith.addi %mul3A_0, %add3A_144 : i32
    %dma_start3A_146 = arith.constant 0 : i32
    %dma_start3A_147 = tpu.memref_slice %arg2[%dma_start3A_146, %add3A_145] : memref<16x1000000xf32, #tpu.memory_space<hbm>> -> memref<16x32768xf32, #tpu.memory_space<hbm>>
    %dma_start3A_148 = arith.constant 0 : i32
    %dma_start3A_149 = arith.constant 0 : i32
    %dma_start3A_150 = tpu.memref_slice %arg5[%dma_start3A_148, %dma_start3A_149] : memref<16x32768xf32, #tpu.memory_space<vmem_shared>> -> memref<16x32768xf32, #tpu.memory_space<vmem_shared>>
    tpu.enqueue_dma source(%dma_start3A_150 : memref<16x32768xf32, #tpu.memory_space<vmem_shared>>) target(%dma_start3A_147 : memref<16x32768xf32, #tpu.memory_space<hbm>>) target_semaphore(%arg12 : memref<!tpu.dma_semaphore, #tpu.memory_space<semaphore_mem>>)
    %dma_wait3A_151 = arith.constant 0 : i32
    %dma_wait3A_152 = tpu.memref_slice %arg2[%dma_wait3A_151, %add3A_145] : memref<16x1000000xf32, #tpu.memory_space<hbm>> -> memref<16x32768xf32, #tpu.memory_space<hbm>>
    %dma_wait3A_153 = arith.constant 0 : i32
    %dma_wait3A_154 = arith.constant 0 : i32
    %dma_wait3A_155 = tpu.memref_slice %arg5[%dma_wait3A_153, %dma_wait3A_154] : memref<16x32768xf32, #tpu.memory_space<vmem_shared>> -> memref<16x32768xf32, #tpu.memory_space<vmem_shared>>
    tpu.wait_dma2 semaphore(%arg12 : memref<!tpu.dma_semaphore, #tpu.memory_space<semaphore_mem>>) src(%dma_wait3A_155 : memref<16x32768xf32, #tpu.memory_space<vmem_shared>>) dst(%dma_wait3A_152 : memref<16x32768xf32, #tpu.memory_space<hbm>>)
    %add3A_156 = arith.constant 262144 : i32
    %add3A_157 = arith.addi %mul3A_0, %add3A_156 : i32
    %dma_start3A_158 = arith.constant 0 : i32
    %dma_start3A_159 = arith.constant 0 : i32
    %dma_start3A_160 = tpu.memref_slice %arg5[%dma_start3A_158, %dma_start3A_159] : memref<16x32768xf32, #tpu.memory_space<vmem_shared>> -> memref<16x32768xf32, #tpu.memory_space<vmem_shared>>
    %dma_start3A_161 = arith.constant 0 : i32
    %dma_start3A_162 = tpu.memref_slice %arg1[%dma_start3A_161, %add3A_157] : memref<16x1000000xf32, #tpu.memory_space<hbm>> -> memref<16x32768xf32, #tpu.memory_space<hbm>>
    tpu.enqueue_dma source(%dma_start3A_162 : memref<16x32768xf32, #tpu.memory_space<hbm>>) target(%dma_start3A_160 : memref<16x32768xf32, #tpu.memory_space<vmem_shared>>) target_semaphore(%arg9 : memref<!tpu.dma_semaphore, #tpu.memory_space<semaphore_mem>>)
    %dma_wait3A_163 = arith.constant 0 : i32
    %dma_wait3A_164 = arith.constant 0 : i32
    %dma_wait3A_165 = tpu.memref_slice %arg3[%dma_wait3A_163, %dma_wait3A_164] : memref<16x32768xf32, #tpu.memory_space<vmem_shared>> -> memref<16x32768xf32, #tpu.memory_space<vmem_shared>>
    %dma_wait3A_166 = arith.constant 0 : i32
    %dma_wait3A_167 = tpu.memref_slice %arg1[%dma_wait3A_166, %add3A_109] : memref<16x1000000xf32, #tpu.memory_space<hbm>> -> memref<16x32768xf32, #tpu.memory_space<hbm>>
    tpu.wait_dma2 semaphore(%arg7 : memref<!tpu.dma_semaphore, #tpu.memory_space<semaphore_mem>>) src(%dma_wait3A_167 : memref<16x32768xf32, #tpu.memory_space<hbm>>) dst(%dma_wait3A_165 : memref<16x32768xf32, #tpu.memory_space<vmem_shared>>)
    %add3A_168 = arith.constant 196608 : i32
    %add3A_169 = arith.addi %mul3A_0, %add3A_168 : i32
    %dma_start3A_170 = arith.constant 0 : i32
    %dma_start3A_171 = tpu.memref_slice %arg2[%dma_start3A_170, %add3A_169] : memref<16x1000000xf32, #tpu.memory_space<hbm>> -> memref<16x32768xf32, #tpu.memory_space<hbm>>
    %dma_start3A_172 = arith.constant 0 : i32
    %dma_start3A_173 = arith.constant 0 : i32
    %dma_start3A_174 = tpu.memref_slice %arg3[%dma_start3A_172, %dma_start3A_173] : memref<16x32768xf32, #tpu.memory_space<vmem_shared>> -> memref<16x32768xf32, #tpu.memory_space<vmem_shared>>
    tpu.enqueue_dma source(%dma_start3A_174 : memref<16x32768xf32, #tpu.memory_space<vmem_shared>>) target(%dma_start3A_171 : memref<16x32768xf32, #tpu.memory_space<hbm>>) target_semaphore(%arg10 : memref<!tpu.dma_semaphore, #tpu.memory_space<semaphore_mem>>)
    %dma_wait3A_175 = arith.constant 0 : i32
    %dma_wait3A_176 = tpu.memref_slice %arg2[%dma_wait3A_175, %add3A_169] : memref<16x1000000xf32, #tpu.memory_space<hbm>> -> memref<16x32768xf32, #tpu.memory_space<hbm>>
    %dma_wait3A_177 = arith.constant 0 : i32
    %dma_wait3A_178 = arith.constant 0 : i32
    %dma_wait3A_179 = tpu.memref_slice %arg3[%dma_wait3A_177, %dma_wait3A_178] : memref<16x32768xf32, #tpu.memory_space<vmem_shared>> -> memref<16x32768xf32, #tpu.memory_space<vmem_shared>>
    tpu.wait_dma2 semaphore(%arg10 : memref<!tpu.dma_semaphore, #tpu.memory_space<semaphore_mem>>) src(%dma_wait3A_179 : memref<16x32768xf32, #tpu.memory_space<vmem_shared>>) dst(%dma_wait3A_176 : memref<16x32768xf32, #tpu.memory_space<hbm>>)
    %add3A_180 = arith.constant 294912 : i32
    %add3A_181 = arith.addi %mul3A_0, %add3A_180 : i32
    %dma_start3A_182 = arith.constant 0 : i32
    %dma_start3A_183 = arith.constant 0 : i32
    %dma_start3A_184 = tpu.memref_slice %arg3[%dma_start3A_182, %dma_start3A_183] : memref<16x32768xf32, #tpu.memory_space<vmem_shared>> -> memref<16x32768xf32, #tpu.memory_space<vmem_shared>>
    %dma_start3A_185 = arith.constant 0 : i32
    %dma_start3A_186 = tpu.memref_slice %arg1[%dma_start3A_185, %add3A_181] : memref<16x1000000xf32, #tpu.memory_space<hbm>> -> memref<16x32768xf32, #tpu.memory_space<hbm>>
    tpu.enqueue_dma source(%dma_start3A_186 : memref<16x32768xf32, #tpu.memory_space<hbm>>) target(%dma_start3A_184 : memref<16x32768xf32, #tpu.memory_space<vmem_shared>>) target_semaphore(%arg7 : memref<!tpu.dma_semaphore, #tpu.memory_space<semaphore_mem>>)
    %dma_wait3A_187 = arith.constant 0 : i32
    %dma_wait3A_188 = arith.constant 0 : i32
    %dma_wait3A_189 = tpu.memref_slice %arg4[%dma_wait3A_187, %dma_wait3A_188] : memref<16x32768xf32, #tpu.memory_space<vmem_shared>> -> memref<16x32768xf32, #tpu.memory_space<vmem_shared>>
    %dma_wait3A_190 = arith.constant 0 : i32
    %dma_wait3A_191 = tpu.memref_slice %arg1[%dma_wait3A_190, %add3A_133] : memref<16x1000000xf32, #tpu.memory_space<hbm>> -> memref<16x32768xf32, #tpu.memory_space<hbm>>
    tpu.wait_dma2 semaphore(%arg8 : memref<!tpu.dma_semaphore, #tpu.memory_space<semaphore_mem>>) src(%dma_wait3A_191 : memref<16x32768xf32, #tpu.memory_space<hbm>>) dst(%dma_wait3A_189 : memref<16x32768xf32, #tpu.memory_space<vmem_shared>>)
    %add3A_192 = arith.constant 229376 : i32
    %add3A_193 = arith.addi %mul3A_0, %add3A_192 : i32
    %dma_start3A_194 = arith.constant 0 : i32
    %dma_start3A_195 = tpu.memref_slice %arg2[%dma_start3A_194, %add3A_193] : memref<16x1000000xf32, #tpu.memory_space<hbm>> -> memref<16x32768xf32, #tpu.memory_space<hbm>>
    %dma_start3A_196 = arith.constant 0 : i32
    %dma_start3A_197 = arith.constant 0 : i32
    %dma_start3A_198 = tpu.memref_slice %arg4[%dma_start3A_196, %dma_start3A_197] : memref<16x32768xf32, #tpu.memory_space<vmem_shared>> -> memref<16x32768xf32, #tpu.memory_space<vmem_shared>>
    tpu.enqueue_dma source(%dma_start3A_198 : memref<16x32768xf32, #tpu.memory_space<vmem_shared>>) target(%dma_start3A_195 : memref<16x32768xf32, #tpu.memory_space<hbm>>) target_semaphore(%arg11 : memref<!tpu.dma_semaphore, #tpu.memory_space<semaphore_mem>>)
    %dma_wait3A_199 = arith.constant 0 : i32
    %dma_wait3A_200 = tpu.memref_slice %arg2[%dma_wait3A_199, %add3A_193] : memref<16x1000000xf32, #tpu.memory_space<hbm>> -> memref<16x32768xf32, #tpu.memory_space<hbm>>
    %dma_wait3A_201 = arith.constant 0 : i32
    %dma_wait3A_202 = arith.constant 0 : i32
    %dma_wait3A_203 = tpu.memref_slice %arg4[%dma_wait3A_201, %dma_wait3A_202] : memref<16x32768xf32, #tpu.memory_space<vmem_shared>> -> memref<16x32768xf32, #tpu.memory_space<vmem_shared>>
    tpu.wait_dma2 semaphore(%arg11 : memref<!tpu.dma_semaphore, #tpu.memory_space<semaphore_mem>>) src(%dma_wait3A_203 : memref<16x32768xf32, #tpu.memory_space<vmem_shared>>) dst(%dma_wait3A_200 : memref<16x32768xf32, #tpu.memory_space<hbm>>)
    %add3A_204 = arith.constant 327680 : i32
    %add3A_205 = arith.addi %mul3A_0, %add3A_204 : i32
    %dma_start3A_206 = arith.constant 0 : i32
    %dma_start3A_207 = arith.constant 0 : i32
    %dma_start3A_208 = tpu.memref_slice %arg4[%dma_start3A_206, %dma_start3A_207] : memref<16x32768xf32, #tpu.memory_space<vmem_shared>> -> memref<16x32768xf32, #tpu.memory_space<vmem_shared>>
    %dma_start3A_209 = arith.constant 0 : i32
    %dma_start3A_210 = tpu.memref_slice %arg1[%dma_start3A_209, %add3A_205] : memref<16x1000000xf32, #tpu.memory_space<hbm>> -> memref<16x32768xf32, #tpu.memory_space<hbm>>
    tpu.enqueue_dma source(%dma_start3A_210 : memref<16x32768xf32, #tpu.memory_space<hbm>>) target(%dma_start3A_208 : memref<16x32768xf32, #tpu.memory_space<vmem_shared>>) target_semaphore(%arg8 : memref<!tpu.dma_semaphore, #tpu.memory_space<semaphore_mem>>)
    %dma_wait3A_211 = arith.constant 0 : i32
    %dma_wait3A_212 = arith.constant 0 : i32
    %dma_wait3A_213 = tpu.memref_slice %arg5[%dma_wait3A_211, %dma_wait3A_212] : memref<16x32768xf32, #tpu.memory_space<vmem_shared>> -> memref<16x32768xf32, #tpu.memory_space<vmem_shared>>
    %dma_wait3A_214 = arith.constant 0 : i32
    %dma_wait3A_215 = tpu.memref_slice %arg1[%dma_wait3A_214, %add3A_157] : memref<16x1000000xf32, #tpu.memory_space<hbm>> -> memref<16x32768xf32, #tpu.memory_space<hbm>>
    tpu.wait_dma2 semaphore(%arg9 : memref<!tpu.dma_semaphore, #tpu.memory_space<semaphore_mem>>) src(%dma_wait3A_215 : memref<16x32768xf32, #tpu.memory_space<hbm>>) dst(%dma_wait3A_213 : memref<16x32768xf32, #tpu.memory_space<vmem_shared>>)
    %add3A_216 = arith.constant 262144 : i32
    %add3A_217 = arith.addi %mul3A_0, %add3A_216 : i32
    %dma_start3A_218 = arith.constant 0 : i32
    %dma_start3A_219 = tpu.memref_slice %arg2[%dma_start3A_218, %add3A_217] : memref<16x1000000xf32, #tpu.memory_space<hbm>> -> memref<16x32768xf32, #tpu.memory_space<hbm>>
    %dma_start3A_220 = arith.constant 0 : i32
    %dma_start3A_221 = arith.constant 0 : i32
    %dma_start3A_222 = tpu.memref_slice %arg5[%dma_start3A_220, %dma_start3A_221] : memref<16x32768xf32, #tpu.memory_space<vmem_shared>> -> memref<16x32768xf32, #tpu.memory_space<vmem_shared>>
    tpu.enqueue_dma source(%dma_start3A_222 : memref<16x32768xf32, #tpu.memory_space<vmem_shared>>) target(%dma_start3A_219 : memref<16x32768xf32, #tpu.memory_space<hbm>>) target_semaphore(%arg12 : memref<!tpu.dma_semaphore, #tpu.memory_space<semaphore_mem>>)
    %dma_wait3A_223 = arith.constant 0 : i32
    %dma_wait3A_224 = tpu.memref_slice %arg2[%dma_wait3A_223, %add3A_217] : memref<16x1000000xf32, #tpu.memory_space<hbm>> -> memref<16x32768xf32, #tpu.memory_space<hbm>>
    %dma_wait3A_225 = arith.constant 0 : i32
    %dma_wait3A_226 = arith.constant 0 : i32
    %dma_wait3A_227 = tpu.memref_slice %arg5[%dma_wait3A_225, %dma_wait3A_226] : memref<16x32768xf32, #tpu.memory_space<vmem_shared>> -> memref<16x32768xf32, #tpu.memory_space<vmem_shared>>
    tpu.wait_dma2 semaphore(%arg12 : memref<!tpu.dma_semaphore, #tpu.memory_space<semaphore_mem>>) src(%dma_wait3A_227 : memref<16x32768xf32, #tpu.memory_space<vmem_shared>>) dst(%dma_wait3A_224 : memref<16x32768xf32, #tpu.memory_space<hbm>>)
    %add3A_228 = arith.constant 360448 : i32
    %add3A_229 = arith.addi %mul3A_0, %add3A_228 : i32
    %dma_start3A_230 = arith.constant 0 : i32
    %dma_start3A_231 = arith.constant 0 : i32
    %dma_start3A_232 = tpu.memref_slice %arg5[%dma_start3A_230, %dma_start3A_231] : memref<16x32768xf32, #tpu.memory_space<vmem_shared>> -> memref<16x32768xf32, #tpu.memory_space<vmem_shared>>
    %dma_start3A_233 = arith.constant 0 : i32
    %dma_start3A_234 = tpu.memref_slice %arg1[%dma_start3A_233, %add3A_229] : memref<16x1000000xf32, #tpu.memory_space<hbm>> -> memref<16x32768xf32, #tpu.memory_space<hbm>>
    tpu.enqueue_dma source(%dma_start3A_234 : memref<16x32768xf32, #tpu.memory_space<hbm>>) target(%dma_start3A_232 : memref<16x32768xf32, #tpu.memory_space<vmem_shared>>) target_semaphore(%arg9 : memref<!tpu.dma_semaphore, #tpu.memory_space<semaphore_mem>>)
    %dma_wait3A_235 = arith.constant 0 : i32
    %dma_wait3A_236 = arith.constant 0 : i32
    %dma_wait3A_237 = tpu.memref_slice %arg3[%dma_wait3A_235, %dma_wait3A_236] : memref<16x32768xf32, #tpu.memory_space<vmem_shared>> -> memref<16x32768xf32, #tpu.memory_space<vmem_shared>>
    %dma_wait3A_238 = arith.constant 0 : i32
    %dma_wait3A_239 = tpu.memref_slice %arg1[%dma_wait3A_238, %add3A_181] : memref<16x1000000xf32, #tpu.memory_space<hbm>> -> memref<16x32768xf32, #tpu.memory_space<hbm>>
    tpu.wait_dma2 semaphore(%arg7 : memref<!tpu.dma_semaphore, #tpu.memory_space<semaphore_mem>>) src(%dma_wait3A_239 : memref<16x32768xf32, #tpu.memory_space<hbm>>) dst(%dma_wait3A_237 : memref<16x32768xf32, #tpu.memory_space<vmem_shared>>)
    %add3A_240 = arith.constant 294912 : i32
    %add3A_241 = arith.addi %mul3A_0, %add3A_240 : i32
    %dma_start3A_242 = arith.constant 0 : i32
    %dma_start3A_243 = tpu.memref_slice %arg2[%dma_start3A_242, %add3A_241] : memref<16x1000000xf32, #tpu.memory_space<hbm>> -> memref<16x32768xf32, #tpu.memory_space<hbm>>
    %dma_start3A_244 = arith.constant 0 : i32
    %dma_start3A_245 = arith.constant 0 : i32
    %dma_start3A_246 = tpu.memref_slice %arg3[%dma_start3A_244, %dma_start3A_245] : memref<16x32768xf32, #tpu.memory_space<vmem_shared>> -> memref<16x32768xf32, #tpu.memory_space<vmem_shared>>
    tpu.enqueue_dma source(%dma_start3A_246 : memref<16x32768xf32, #tpu.memory_space<vmem_shared>>) target(%dma_start3A_243 : memref<16x32768xf32, #tpu.memory_space<hbm>>) target_semaphore(%arg10 : memref<!tpu.dma_semaphore, #tpu.memory_space<semaphore_mem>>)
    %dma_wait3A_247 = arith.constant 0 : i32
    %dma_wait3A_248 = tpu.memref_slice %arg2[%dma_wait3A_247, %add3A_241] : memref<16x1000000xf32, #tpu.memory_space<hbm>> -> memref<16x32768xf32, #tpu.memory_space<hbm>>
    %dma_wait3A_249 = arith.constant 0 : i32
    %dma_wait3A_250 = arith.constant 0 : i32
    %dma_wait3A_251 = tpu.memref_slice %arg3[%dma_wait3A_249, %dma_wait3A_250] : memref<16x32768xf32, #tpu.memory_space<vmem_shared>> -> memref<16x32768xf32, #tpu.memory_space<vmem_shared>>
    tpu.wait_dma2 semaphore(%arg10 : memref<!tpu.dma_semaphore, #tpu.memory_space<semaphore_mem>>) src(%dma_wait3A_251 : memref<16x32768xf32, #tpu.memory_space<vmem_shared>>) dst(%dma_wait3A_248 : memref<16x32768xf32, #tpu.memory_space<hbm>>)
    %add3A_252 = arith.constant 393216 : i32
    %add3A_253 = arith.addi %mul3A_0, %add3A_252 : i32
    %dma_start3A_254 = arith.constant 0 : i32
    %dma_start3A_255 = arith.constant 0 : i32
    %dma_start3A_256 = tpu.memref_slice %arg3[%dma_start3A_254, %dma_start3A_255] : memref<16x32768xf32, #tpu.memory_space<vmem_shared>> -> memref<16x32768xf32, #tpu.memory_space<vmem_shared>>
    %dma_start3A_257 = arith.constant 0 : i32
    %dma_start3A_258 = tpu.memref_slice %arg1[%dma_start3A_257, %add3A_253] : memref<16x1000000xf32, #tpu.memory_space<hbm>> -> memref<16x32768xf32, #tpu.memory_space<hbm>>
    tpu.enqueue_dma source(%dma_start3A_258 : memref<16x32768xf32, #tpu.memory_space<hbm>>) target(%dma_start3A_256 : memref<16x32768xf32, #tpu.memory_space<vmem_shared>>) target_semaphore(%arg7 : memref<!tpu.dma_semaphore, #tpu.memory_space<semaphore_mem>>)
    %dma_wait3A_259 = arith.constant 0 : i32
    %dma_wait3A_260 = arith.constant 0 : i32
    %dma_wait3A_261 = tpu.memref_slice %arg4[%dma_wait3A_259, %dma_wait3A_260] : memref<16x32768xf32, #tpu.memory_space<vmem_shared>> -> memref<16x32768xf32, #tpu.memory_space<vmem_shared>>
    %dma_wait3A_262 = arith.constant 0 : i32
    %dma_wait3A_263 = tpu.memref_slice %arg1[%dma_wait3A_262, %add3A_205] : memref<16x1000000xf32, #tpu.memory_space<hbm>> -> memref<16x32768xf32, #tpu.memory_space<hbm>>
    tpu.wait_dma2 semaphore(%arg8 : memref<!tpu.dma_semaphore, #tpu.memory_space<semaphore_mem>>) src(%dma_wait3A_263 : memref<16x32768xf32, #tpu.memory_space<hbm>>) dst(%dma_wait3A_261 : memref<16x32768xf32, #tpu.memory_space<vmem_shared>>)
    %add3A_264 = arith.constant 327680 : i32
    %add3A_265 = arith.addi %mul3A_0, %add3A_264 : i32
    %dma_start3A_266 = arith.constant 0 : i32
    %dma_start3A_267 = tpu.memref_slice %arg2[%dma_start3A_266, %add3A_265] : memref<16x1000000xf32, #tpu.memory_space<hbm>> -> memref<16x32768xf32, #tpu.memory_space<hbm>>
    %dma_start3A_268 = arith.constant 0 : i32
    %dma_start3A_269 = arith.constant 0 : i32
    %dma_start3A_270 = tpu.memref_slice %arg4[%dma_start3A_268, %dma_start3A_269] : memref<16x32768xf32, #tpu.memory_space<vmem_shared>> -> memref<16x32768xf32, #tpu.memory_space<vmem_shared>>
    tpu.enqueue_dma source(%dma_start3A_270 : memref<16x32768xf32, #tpu.memory_space<vmem_shared>>) target(%dma_start3A_267 : memref<16x32768xf32, #tpu.memory_space<hbm>>) target_semaphore(%arg11 : memref<!tpu.dma_semaphore, #tpu.memory_space<semaphore_mem>>)
    %dma_wait3A_271 = arith.constant 0 : i32
    %dma_wait3A_272 = tpu.memref_slice %arg2[%dma_wait3A_271, %add3A_265] : memref<16x1000000xf32, #tpu.memory_space<hbm>> -> memref<16x32768xf32, #tpu.memory_space<hbm>>
    %dma_wait3A_273 = arith.constant 0 : i32
    %dma_wait3A_274 = arith.constant 0 : i32
    %dma_wait3A_275 = tpu.memref_slice %arg4[%dma_wait3A_273, %dma_wait3A_274] : memref<16x32768xf32, #tpu.memory_space<vmem_shared>> -> memref<16x32768xf32, #tpu.memory_space<vmem_shared>>
    tpu.wait_dma2 semaphore(%arg11 : memref<!tpu.dma_semaphore, #tpu.memory_space<semaphore_mem>>) src(%dma_wait3A_275 : memref<16x32768xf32, #tpu.memory_space<vmem_shared>>) dst(%dma_wait3A_272 : memref<16x32768xf32, #tpu.memory_space<hbm>>)
    %add3A_276 = arith.constant 425984 : i32
    %add3A_277 = arith.addi %mul3A_0, %add3A_276 : i32
    %dma_start3A_278 = arith.constant 0 : i32
    %dma_start3A_279 = arith.constant 0 : i32
    %dma_start3A_280 = tpu.memref_slice %arg4[%dma_start3A_278, %dma_start3A_279] : memref<16x32768xf32, #tpu.memory_space<vmem_shared>> -> memref<16x32768xf32, #tpu.memory_space<vmem_shared>>
    %dma_start3A_281 = arith.constant 0 : i32
    %dma_start3A_282 = tpu.memref_slice %arg1[%dma_start3A_281, %add3A_277] : memref<16x1000000xf32, #tpu.memory_space<hbm>> -> memref<16x32768xf32, #tpu.memory_space<hbm>>
    tpu.enqueue_dma source(%dma_start3A_282 : memref<16x32768xf32, #tpu.memory_space<hbm>>) target(%dma_start3A_280 : memref<16x32768xf32, #tpu.memory_space<vmem_shared>>) target_semaphore(%arg8 : memref<!tpu.dma_semaphore, #tpu.memory_space<semaphore_mem>>)
    %dma_wait3A_283 = arith.constant 0 : i32
    %dma_wait3A_284 = arith.constant 0 : i32
    %dma_wait3A_285 = tpu.memref_slice %arg5[%dma_wait3A_283, %dma_wait3A_284] : memref<16x32768xf32, #tpu.memory_space<vmem_shared>> -> memref<16x32768xf32, #tpu.memory_space<vmem_shared>>
    %dma_wait3A_286 = arith.constant 0 : i32
    %dma_wait3A_287 = tpu.memref_slice %arg1[%dma_wait3A_286, %add3A_229] : memref<16x1000000xf32, #tpu.memory_space<hbm>> -> memref<16x32768xf32, #tpu.memory_space<hbm>>
    tpu.wait_dma2 semaphore(%arg9 : memref<!tpu.dma_semaphore, #tpu.memory_space<semaphore_mem>>) src(%dma_wait3A_287 : memref<16x32768xf32, #tpu.memory_space<hbm>>) dst(%dma_wait3A_285 : memref<16x32768xf32, #tpu.memory_space<vmem_shared>>)
    %add3A_288 = arith.constant 360448 : i32
    %add3A_289 = arith.addi %mul3A_0, %add3A_288 : i32
    %dma_start3A_290 = arith.constant 0 : i32
    %dma_start3A_291 = tpu.memref_slice %arg2[%dma_start3A_290, %add3A_289] : memref<16x1000000xf32, #tpu.memory_space<hbm>> -> memref<16x32768xf32, #tpu.memory_space<hbm>>
    %dma_start3A_292 = arith.constant 0 : i32
    %dma_start3A_293 = arith.constant 0 : i32
    %dma_start3A_294 = tpu.memref_slice %arg5[%dma_start3A_292, %dma_start3A_293] : memref<16x32768xf32, #tpu.memory_space<vmem_shared>> -> memref<16x32768xf32, #tpu.memory_space<vmem_shared>>
    tpu.enqueue_dma source(%dma_start3A_294 : memref<16x32768xf32, #tpu.memory_space<vmem_shared>>) target(%dma_start3A_291 : memref<16x32768xf32, #tpu.memory_space<hbm>>) target_semaphore(%arg12 : memref<!tpu.dma_semaphore, #tpu.memory_space<semaphore_mem>>)
    %dma_wait3A_295 = arith.constant 0 : i32
    %dma_wait3A_296 = tpu.memref_slice %arg2[%dma_wait3A_295, %add3A_289] : memref<16x1000000xf32, #tpu.memory_space<hbm>> -> memref<16x32768xf32, #tpu.memory_space<hbm>>
    %dma_wait3A_297 = arith.constant 0 : i32
    %dma_wait3A_298 = arith.constant 0 : i32
    %dma_wait3A_299 = tpu.memref_slice %arg5[%dma_wait3A_297, %dma_wait3A_298] : memref<16x32768xf32, #tpu.memory_space<vmem_shared>> -> memref<16x32768xf32, #tpu.memory_space<vmem_shared>>
    tpu.wait_dma2 semaphore(%arg12 : memref<!tpu.dma_semaphore, #tpu.memory_space<semaphore_mem>>) src(%dma_wait3A_299 : memref<16x32768xf32, #tpu.memory_space<vmem_shared>>) dst(%dma_wait3A_296 : memref<16x32768xf32, #tpu.memory_space<hbm>>)
    %add3A_300 = arith.constant 458752 : i32
    %add3A_301 = arith.addi %mul3A_0, %add3A_300 : i32
    %dma_start3A_302 = arith.constant 0 : i32
    %dma_start3A_303 = arith.constant 0 : i32
    %dma_start3A_304 = tpu.memref_slice %arg5[%dma_start3A_302, %dma_start3A_303] : memref<16x32768xf32, #tpu.memory_space<vmem_shared>> -> memref<16x32768xf32, #tpu.memory_space<vmem_shared>>
    %dma_start3A_305 = arith.constant 0 : i32
    %dma_start3A_306 = tpu.memref_slice %arg1[%dma_start3A_305, %add3A_301] : memref<16x1000000xf32, #tpu.memory_space<hbm>> -> memref<16x32768xf32, #tpu.memory_space<hbm>>
    tpu.enqueue_dma source(%dma_start3A_306 : memref<16x32768xf32, #tpu.memory_space<hbm>>) target(%dma_start3A_304 : memref<16x32768xf32, #tpu.memory_space<vmem_shared>>) target_semaphore(%arg9 : memref<!tpu.dma_semaphore, #tpu.memory_space<semaphore_mem>>)
    %dma_wait3A_307 = arith.constant 0 : i32
    %dma_wait3A_308 = arith.constant 0 : i32
    %dma_wait3A_309 = tpu.memref_slice %arg3[%dma_wait3A_307, %dma_wait3A_308] : memref<16x32768xf32, #tpu.memory_space<vmem_shared>> -> memref<16x32768xf32, #tpu.memory_space<vmem_shared>>
    %dma_wait3A_310 = arith.constant 0 : i32
    %dma_wait3A_311 = tpu.memref_slice %arg1[%dma_wait3A_310, %add3A_253] : memref<16x1000000xf32, #tpu.memory_space<hbm>> -> memref<16x32768xf32, #tpu.memory_space<hbm>>
    tpu.wait_dma2 semaphore(%arg7 : memref<!tpu.dma_semaphore, #tpu.memory_space<semaphore_mem>>) src(%dma_wait3A_311 : memref<16x32768xf32, #tpu.memory_space<hbm>>) dst(%dma_wait3A_309 : memref<16x32768xf32, #tpu.memory_space<vmem_shared>>)
    %add3A_312 = arith.constant 393216 : i32
    %add3A_313 = arith.addi %mul3A_0, %add3A_312 : i32
    %dma_start3A_314 = arith.constant 0 : i32
    %dma_start3A_315 = tpu.memref_slice %arg2[%dma_start3A_314, %add3A_313] : memref<16x1000000xf32, #tpu.memory_space<hbm>> -> memref<16x32768xf32, #tpu.memory_space<hbm>>
    %dma_start3A_316 = arith.constant 0 : i32
    %dma_start3A_317 = arith.constant 0 : i32
    %dma_start3A_318 = tpu.memref_slice %arg3[%dma_start3A_316, %dma_start3A_317] : memref<16x32768xf32, #tpu.memory_space<vmem_shared>> -> memref<16x32768xf32, #tpu.memory_space<vmem_shared>>
    tpu.enqueue_dma source(%dma_start3A_318 : memref<16x32768xf32, #tpu.memory_space<vmem_shared>>) target(%dma_start3A_315 : memref<16x32768xf32, #tpu.memory_space<hbm>>) target_semaphore(%arg10 : memref<!tpu.dma_semaphore, #tpu.memory_space<semaphore_mem>>)
    %dma_wait3A_319 = arith.constant 0 : i32
    %dma_wait3A_320 = tpu.memref_slice %arg2[%dma_wait3A_319, %add3A_313] : memref<16x1000000xf32, #tpu.memory_space<hbm>> -> memref<16x32768xf32, #tpu.memory_space<hbm>>
    %dma_wait3A_321 = arith.constant 0 : i32
    %dma_wait3A_322 = arith.constant 0 : i32
    %dma_wait3A_323 = tpu.memref_slice %arg3[%dma_wait3A_321, %dma_wait3A_322] : memref<16x32768xf32, #tpu.memory_space<vmem_shared>> -> memref<16x32768xf32, #tpu.memory_space<vmem_shared>>
    tpu.wait_dma2 semaphore(%arg10 : memref<!tpu.dma_semaphore, #tpu.memory_space<semaphore_mem>>) src(%dma_wait3A_323 : memref<16x32768xf32, #tpu.memory_space<vmem_shared>>) dst(%dma_wait3A_320 : memref<16x32768xf32, #tpu.memory_space<hbm>>)
    %add3A_324 = arith.constant 491520 : i32
    %add3A_325 = arith.addi %mul3A_0, %add3A_324 : i32
    %dma_start3A_326 = arith.constant 0 : i32
    %dma_start3A_327 = arith.constant 0 : i32
    %dma_start3A_328 = tpu.memref_slice %arg3[%dma_start3A_326, %dma_start3A_327] : memref<16x32768xf32, #tpu.memory_space<vmem_shared>> -> memref<16x8448xf32, #tpu.memory_space<vmem_shared>>
    %dma_start3A_329 = arith.constant 0 : i32
    %dma_start3A_330 = tpu.memref_slice %arg1[%dma_start3A_329, %add3A_325] : memref<16x1000000xf32, #tpu.memory_space<hbm>> -> memref<16x8448xf32, #tpu.memory_space<hbm>>
    tpu.enqueue_dma source(%dma_start3A_330 : memref<16x8448xf32, #tpu.memory_space<hbm>>) target(%dma_start3A_328 : memref<16x8448xf32, #tpu.memory_space<vmem_shared>>) target_semaphore(%arg7 : memref<!tpu.dma_semaphore, #tpu.memory_space<semaphore_mem>>)
    %dma_wait3A_331 = arith.constant 0 : i32
    %dma_wait3A_332 = arith.constant 0 : i32
    %dma_wait3A_333 = tpu.memref_slice %arg4[%dma_wait3A_331, %dma_wait3A_332] : memref<16x32768xf32, #tpu.memory_space<vmem_shared>> -> memref<16x32768xf32, #tpu.memory_space<vmem_shared>>
    %dma_wait3A_334 = arith.constant 0 : i32
    %dma_wait3A_335 = tpu.memref_slice %arg1[%dma_wait3A_334, %add3A_277] : memref<16x1000000xf32, #tpu.memory_space<hbm>> -> memref<16x32768xf32, #tpu.memory_space<hbm>>
    tpu.wait_dma2 semaphore(%arg8 : memref<!tpu.dma_semaphore, #tpu.memory_space<semaphore_mem>>) src(%dma_wait3A_335 : memref<16x32768xf32, #tpu.memory_space<hbm>>) dst(%dma_wait3A_333 : memref<16x32768xf32, #tpu.memory_space<vmem_shared>>)
    %add3A_336 = arith.constant 425984 : i32
    %add3A_337 = arith.addi %mul3A_0, %add3A_336 : i32
    %dma_start3A_338 = arith.constant 0 : i32
    %dma_start3A_339 = tpu.memref_slice %arg2[%dma_start3A_338, %add3A_337] : memref<16x1000000xf32, #tpu.memory_space<hbm>> -> memref<16x32768xf32, #tpu.memory_space<hbm>>
    %dma_start3A_340 = arith.constant 0 : i32
    %dma_start3A_341 = arith.constant 0 : i32
    %dma_start3A_342 = tpu.memref_slice %arg4[%dma_start3A_340, %dma_start3A_341] : memref<16x32768xf32, #tpu.memory_space<vmem_shared>> -> memref<16x32768xf32, #tpu.memory_space<vmem_shared>>
    tpu.enqueue_dma source(%dma_start3A_342 : memref<16x32768xf32, #tpu.memory_space<vmem_shared>>) target(%dma_start3A_339 : memref<16x32768xf32, #tpu.memory_space<hbm>>) target_semaphore(%arg11 : memref<!tpu.dma_semaphore, #tpu.memory_space<semaphore_mem>>)
    %dma_wait3A_343 = arith.constant 0 : i32
    %dma_wait3A_344 = arith.constant 0 : i32
    %dma_wait3A_345 = tpu.memref_slice %arg5[%dma_wait3A_343, %dma_wait3A_344] : memref<16x32768xf32, #tpu.memory_space<vmem_shared>> -> memref<16x32768xf32, #tpu.memory_space<vmem_shared>>
    %dma_wait3A_346 = arith.constant 0 : i32
    %dma_wait3A_347 = tpu.memref_slice %arg1[%dma_wait3A_346, %add3A_301] : memref<16x1000000xf32, #tpu.memory_space<hbm>> -> memref<16x32768xf32, #tpu.memory_space<hbm>>
    tpu.wait_dma2 semaphore(%arg9 : memref<!tpu.dma_semaphore, #tpu.memory_space<semaphore_mem>>) src(%dma_wait3A_347 : memref<16x32768xf32, #tpu.memory_space<hbm>>) dst(%dma_wait3A_345 : memref<16x32768xf32, #tpu.memory_space<vmem_shared>>)
    %add3A_348 = arith.constant 458752 : i32
    %add3A_349 = arith.addi %mul3A_0, %add3A_348 : i32
    %dma_start3A_350 = arith.constant 0 : i32
    %dma_start3A_351 = tpu.memref_slice %arg2[%dma_start3A_350, %add3A_349] : memref<16x1000000xf32, #tpu.memory_space<hbm>> -> memref<16x32768xf32, #tpu.memory_space<hbm>>
    %dma_start3A_352 = arith.constant 0 : i32
    %dma_start3A_353 = arith.constant 0 : i32
    %dma_start3A_354 = tpu.memref_slice %arg5[%dma_start3A_352, %dma_start3A_353] : memref<16x32768xf32, #tpu.memory_space<vmem_shared>> -> memref<16x32768xf32, #tpu.memory_space<vmem_shared>>
    tpu.enqueue_dma source(%dma_start3A_354 : memref<16x32768xf32, #tpu.memory_space<vmem_shared>>) target(%dma_start3A_351 : memref<16x32768xf32, #tpu.memory_space<hbm>>) target_semaphore(%arg12 : memref<!tpu.dma_semaphore, #tpu.memory_space<semaphore_mem>>)
    %dma_wait3A_355 = arith.constant 0 : i32
    %dma_wait3A_356 = arith.constant 0 : i32
    %dma_wait3A_357 = tpu.memref_slice %arg3[%dma_wait3A_355, %dma_wait3A_356] : memref<16x32768xf32, #tpu.memory_space<vmem_shared>> -> memref<16x8448xf32, #tpu.memory_space<vmem_shared>>
    %dma_wait3A_358 = arith.constant 0 : i32
    %dma_wait3A_359 = tpu.memref_slice %arg1[%dma_wait3A_358, %add3A_325] : memref<16x1000000xf32, #tpu.memory_space<hbm>> -> memref<16x8448xf32, #tpu.memory_space<hbm>>
    tpu.wait_dma2 semaphore(%arg7 : memref<!tpu.dma_semaphore, #tpu.memory_space<semaphore_mem>>) src(%dma_wait3A_359 : memref<16x8448xf32, #tpu.memory_space<hbm>>) dst(%dma_wait3A_357 : memref<16x8448xf32, #tpu.memory_space<vmem_shared>>)
    %add3A_360 = arith.constant 491520 : i32
    %add3A_361 = arith.addi %mul3A_0, %add3A_360 : i32
    %dma_start3A_362 = arith.constant 0 : i32
    %dma_start3A_363 = tpu.memref_slice %arg2[%dma_start3A_362, %add3A_361] : memref<16x1000000xf32, #tpu.memory_space<hbm>> -> memref<16x8448xf32, #tpu.memory_space<hbm>>
    %dma_start3A_364 = arith.constant 0 : i32
    %dma_start3A_365 = arith.constant 0 : i32
    %dma_start3A_366 = tpu.memref_slice %arg3[%dma_start3A_364, %dma_start3A_365] : memref<16x32768xf32, #tpu.memory_space<vmem_shared>> -> memref<16x8448xf32, #tpu.memory_space<vmem_shared>>
    tpu.enqueue_dma source(%dma_start3A_366 : memref<16x8448xf32, #tpu.memory_space<vmem_shared>>) target(%dma_start3A_363 : memref<16x8448xf32, #tpu.memory_space<hbm>>) target_semaphore(%arg10 : memref<!tpu.dma_semaphore, #tpu.memory_space<semaphore_mem>>)
    %dma_wait3A_367 = arith.constant 0 : i32
    %dma_wait3A_368 = tpu.memref_slice %arg2[%dma_wait3A_367, %add3A_337] : memref<16x1000000xf32, #tpu.memory_space<hbm>> -> memref<16x32768xf32, #tpu.memory_space<hbm>>
    %dma_wait3A_369 = arith.constant 0 : i32
    %dma_wait3A_370 = arith.constant 0 : i32
    %dma_wait3A_371 = tpu.memref_slice %arg4[%dma_wait3A_369, %dma_wait3A_370] : memref<16x32768xf32, #tpu.memory_space<vmem_shared>> -> memref<16x32768xf32, #tpu.memory_space<vmem_shared>>
    tpu.wait_dma2 semaphore(%arg11 : memref<!tpu.dma_semaphore, #tpu.memory_space<semaphore_mem>>) src(%dma_wait3A_371 : memref<16x32768xf32, #tpu.memory_space<vmem_shared>>) dst(%dma_wait3A_368 : memref<16x32768xf32, #tpu.memory_space<hbm>>)
    %dma_wait3A_372 = arith.constant 0 : i32
    %dma_wait3A_373 = tpu.memref_slice %arg2[%dma_wait3A_372, %add3A_349] : memref<16x1000000xf32, #tpu.memory_space<hbm>> -> memref<16x32768xf32, #tpu.memory_space<hbm>>
    %dma_wait3A_374 = arith.constant 0 : i32
    %dma_wait3A_375 = arith.constant 0 : i32
    %dma_wait3A_376 = tpu.memref_slice %arg5[%dma_wait3A_374, %dma_wait3A_375] : memref<16x32768xf32, #tpu.memory_space<vmem_shared>> -> memref<16x32768xf32, #tpu.memory_space<vmem_shared>>
    tpu.wait_dma2 semaphore(%arg12 : memref<!tpu.dma_semaphore, #tpu.memory_space<semaphore_mem>>) src(%dma_wait3A_376 : memref<16x32768xf32, #tpu.memory_space<vmem_shared>>) dst(%dma_wait3A_373 : memref<16x32768xf32, #tpu.memory_space<hbm>>)
    %dma_wait3A_377 = arith.constant 0 : i32
    %dma_wait3A_378 = tpu.memref_slice %arg2[%dma_wait3A_377, %add3A_361] : memref<16x1000000xf32, #tpu.memory_space<hbm>> -> memref<16x8448xf32, #tpu.memory_space<hbm>>
    %dma_wait3A_379 = arith.constant 0 : i32
    %dma_wait3A_380 = arith.constant 0 : i32
    %dma_wait3A_381 = tpu.memref_slice %arg3[%dma_wait3A_379, %dma_wait3A_380] : memref<16x32768xf32, #tpu.memory_space<vmem_shared>> -> memref<16x8448xf32, #tpu.memory_space<vmem_shared>>
    tpu.wait_dma2 semaphore(%arg10 : memref<!tpu.dma_semaphore, #tpu.memory_space<semaphore_mem>>) src(%dma_wait3A_381 : memref<16x8448xf32, #tpu.memory_space<vmem_shared>>) dst(%dma_wait3A_378 : memref<16x8448xf32, #tpu.memory_space<hbm>>)
    %eq3A = arith.constant 1 : i32
    %eq3A_382 = arith.cmpi eq, %arg0, %eq3A : i32
    %convert_element_type3A = arith.extui %eq3A_382 : i1 to i32
    %cond3A = arith.constant 0 : i32
    %cond3A_383 = arith.cmpi ne, %convert_element_type3A, %cond3A : i32
    scf.if %cond3A_383 {
      "tpu.region"() ({
        %run_scoped3A = tpu.sem_alloc : memref<!tpu.dma_semaphore, #tpu.memory_space<semaphore_mem>>
        %dma_start3A_384 = arith.constant 0 : i32
        %dma_start3A_385 = arith.constant 999936 : i32
        %dma_start3A_386 = tpu.memref_slice %arg1[%dma_start3A_384, %dma_start3A_385] : memref<16x1000000xf32, #tpu.memory_space<hbm>> -> memref<16x64xf32, #tpu.memory_space<hbm>>
        tpu.enqueue_dma source(%dma_start3A_386 : memref<16x64xf32, #tpu.memory_space<hbm>>) target(%arg6 : memref<16x64xf32, #tpu.memory_space<vmem_shared>>) target_semaphore(%run_scoped3A : memref<!tpu.dma_semaphore, #tpu.memory_space<semaphore_mem>>)
        %dma_wait3A_387 = arith.constant 0 : i32
        %dma_wait3A_388 = arith.constant 999936 : i32
        %dma_wait3A_389 = tpu.memref_slice %arg1[%dma_wait3A_387, %dma_wait3A_388] : memref<16x1000000xf32, #tpu.memory_space<hbm>> -> memref<16x64xf32, #tpu.memory_space<hbm>>
        tpu.wait_dma2 semaphore(%run_scoped3A : memref<!tpu.dma_semaphore, #tpu.memory_space<semaphore_mem>>) src(%dma_wait3A_389 : memref<16x64xf32, #tpu.memory_space<hbm>>) dst(%arg6 : memref<16x64xf32, #tpu.memory_space<vmem_shared>>)
        tpu.yield
      }) : () -> ()
      "tpu.region"() ({
        %run_scoped3A = tpu.sem_alloc : memref<!tpu.dma_semaphore, #tpu.memory_space<semaphore_mem>>
        %dma_start3A_384 = arith.constant 0 : i32
        %dma_start3A_385 = arith.constant 999936 : i32
        %dma_start3A_386 = tpu.memref_slice %arg2[%dma_start3A_384, %dma_start3A_385] : memref<16x1000000xf32, #tpu.memory_space<hbm>> -> memref<16x64xf32, #tpu.memory_space<hbm>>
        tpu.enqueue_dma source(%arg6 : memref<16x64xf32, #tpu.memory_space<vmem_shared>>) target(%dma_start3A_386 : memref<16x64xf32, #tpu.memory_space<hbm>>) target_semaphore(%run_scoped3A : memref<!tpu.dma_semaphore, #tpu.memory_space<semaphore_mem>>)
        %dma_wait3A_387 = arith.constant 0 : i32
        %dma_wait3A_388 = arith.constant 999936 : i32
        %dma_wait3A_389 = tpu.memref_slice %arg2[%dma_wait3A_387, %dma_wait3A_388] : memref<16x1000000xf32, #tpu.memory_space<hbm>> -> memref<16x64xf32, #tpu.memory_space<hbm>>
        tpu.wait_dma2 semaphore(%run_scoped3A : memref<!tpu.dma_semaphore, #tpu.memory_space<semaphore_mem>>) src(%arg6 : memref<16x64xf32, #tpu.memory_space<vmem_shared>>) dst(%dma_wait3A_389 : memref<16x64xf32, #tpu.memory_space<hbm>>)
        tpu.yield
      }) : () -> ()
    } else {
    }
    return
  }
}

</mosaic_0001>

<sc_bundles>
// kernel: kernel.3.cloned.1.call-start
scs
__scs_entry_jumppad:
0x0: {  	(pc) =	sbr.rel $0x88, $3  }
0x1: {  	(tag) =	ssettag $0x0;
	lr =	simm.s32 $0x1  }
0x2: {  	[smem:$0x3FA0] =	sst lr;
	_ =	strace $0xD0000000  }
0x3: {  	_ = 	snop  }
0x4: {  	_ = 	snop  }
0x5: {  	_ = 	snop  }
0x6: {  	_ = 	snop  }
0x7: {  	_ = 	snop  }
__scs_overlays_trampoline_lowered:
0x8: {  	[smem:$0x3FAF] =	sst s0  }
0x9: {  	[smem:$0x3FB0] =	sst s1  }
0xa: {  	[smem:$0x3FB1] =	sst s2  }
0xb: {  	[smem:$0x3FB2] =	sst s3  }
0xc: {  	[smem:$0x3FB3] =	sst s4  }
0xd: {  	[smem:$0x3FB4] =	sst s5  }
0xe: {  	[smem:$0x3FB5] =	sst s6  }
0xf: {  	[smem:$0x3FB6] =	sst s7  }
0x10: {  	[smem:$0x3FB7] =	sst s8  }
0x11: {  	[smem:$0x3FB8] =	sst s9;
	s0 =	simm.s32 @!p0 $0x0  }
0x12: {  	s1 =	sld [smem:$0x3F9E];
	s0 =	simm.s32 @p0 $0x1  }
0x13: {  	[smem:$0x3FB9] =	sst s0;
	s0 =	simm.s32 @!p1 $0x0  }
0x14: {  	s2 =	sld [smem:$0x3F9D];
	s0 =	simm.s32 @p1 $0x1  }
0x15: {  	[smem:$0x3FBA] =	sst s0;
	s0 =	simm.s32 @!p2 $0x0  }
0x16: {  	s3 =	sld [smem:$0x3FDB];
	s0 =	simm.s32 @p2 $0x1  }
0x17: {  	s4 =	simm.s32 $0x1BF5;
	[smem:$0x3FBC] =	sst s0  }
0x18: {  	s0 =	sld [smem:$0x3F9F];
	_ =	swait.ge [sflag:s4], $0x0  }
0x19: {  	s7 =	sld [smem:$0x3FA0]  }
0x1a: {  	s8 =	sadd.s32 $0xFFFFE003, lr  }
0x1b: {  	s9 =	sadd.s32 $0xFFFFFEF7, lr;
	s5 =	simm.s32 $0xFFFFFFFF;
	p2 =	slt.u32 s8, $0xFFFFF086  }
0x1c: {  	p1 =	slt.u32 s9, $0xF7A;
	s5 =	simm.s32 @!p2 $0x0  }
0x1d: {  	s5 =	simm.s32 @p1 $0x1;
	p0 =	seq.s32 s7, s2  }
0x1e: {  	s7 =	smul.u32 @!p0 $0xF7A, s2;
	p2 =	seq.s32 @!p0 s5, $0x0  }
0x1f: {  	s9 =	smul.u32 $0xF7A, s1;
	s8 =	simm.s32 @!p0 $0x1BF5;
	p2 =	por !p2, p0  }
0x20: {  	[sflag:s8] =	ssyncset.s32 @!p0 $0xFFFFF086;
	s6 =	sadd.s32 @!p0 s3, s7;
	s7 =	simm.s32 @!p0 $0x108  }
0x21: {  	s3 =	sadd.s32 s3, s9;
	s6 =	sadd.s32 @!p0 $0x88, s6;
	s7 =	simm.s32 @p2 $0x1082  }
0x22: {  	[simem:s7], [sflag:s8] =	dma.local @!p0 [hbm:s6], $0xF7A  }
0x23: {  	s9 =	sor.u32 $0xD0000000, s2;
	s6 =	simm.s32 $0x108;
	_ =	swait.ge @!p0 [sflag:s8], $0x0  }
0x24: {  	s3 =	sadd.s32 $0x88, s3;
	s6 =	simm.s32 @!p1 $0x1082;
	[sflag:s4] =	ssyncset.s32 $0xFFFFF086  }
0x25: {  	[simem:s6], [sflag:s4] =	dma.local [hbm:s3], $0xF7A  }
0x26: {  	[smem:$0x3FA0] =	sst s1;
	(tag) =	ssettag s2;
	_ =	strace s9  }
0x27: {  	s1 =	sld [smem:$0x3FB0]  }
0x28: {  	s2 =	sld [smem:$0x3FB1]  }
0x29: {  	s4 =	sld [smem:$0x3FB3]  }
0x2a: {  	p0 =	seq.s32 s5, $0x0;
	s5 =	sld [smem:$0x3FB4]  }
0x2b: {  	s6 =	sld [smem:$0x3FB5]  }
0x2c: {  	s7 =	sld [smem:$0x3FB6]  }
0x2d: {  	s3 =	simm.s32 $0x108;
	s8 =	sld [smem:$0x3FB7]  }
0x2e: {  	s3 =	simm.s32 @!p0 $0x1082;
	s9 =	sld [smem:$0x3FB8]  }
0x2f: {  	lr =	sadd.s32 s0, s3;
	s0 =	sld [smem:$0x3FAF]  }
0x30: {  	s3 =	sld [smem:$0x3FB2]  }
0x31: {  	[smem:$0x3FBB] =	sst s10  }
0x32: {  	s10 =	sld [smem:$0x3FB9];
	_ =	sdelay $0x3  }
0x33: {  	p0 =	seq.s32 s10, $0x1;
	s10 =	sld [smem:$0x3FBB];
	_ =	sdelay $0x3  }
0x34: {  	[smem:$0x3FBB] =	sst s10  }
0x35: {  	s10 =	sld [smem:$0x3FBA];
	_ =	sdelay $0x3  }
0x36: {  	p1 =	seq.s32 s10, $0x1;
	s10 =	sld [smem:$0x3FBB];
	_ =	sdelay $0x3  }
0x37: {  	[smem:$0x3FBB] =	sst s10  }
0x38: {  	s10 =	sld [smem:$0x3FBC]  }
0x39: {  	_ = 	snop;
	(pc) =	sbr.ind lr, $3  }
0x3a: {  	_ = 	snop  }
0x3b: {  	_ = 	snop  }
0x3c: {  	p2 =	seq.s32 s10, $0x1;
	s10 =	sld [smem:$0x3FBB]  }
0x3d: {  	_ =	shalt  }
0x3e: {  	_ =	shalt  }
0x3f: {  	_ =	shalt  }
0x40: {  	_ =	shalt  }
0x41: {  	_ =	shalt  }
0x42: {  	_ =	shalt  }
0x43: {  	_ =	shalt  }
0x44: {  	_ =	shalt  }
0x45: {  	_ =	shalt  }
0x46: {  	_ =	shalt  }
0x47: {  	_ =	shalt  }
0x48: {  	_ =	shalt  }
0x49: {  	_ =	shalt  }
0x4a: {  	_ =	shalt  }
0x4b: {  	_ =	shalt  }
0x4c: {  	_ =	shalt  }
0x4d: {  	_ =	shalt  }
0x4e: {  	_ =	shalt  }
0x4f: {  	_ =	shalt  }
0x50: {  	_ =	shalt  }
0x51: {  	_ =	shalt  }
0x52: {  	_ =	shalt  }
0x53: {  	_ =	shalt  }
0x54: {  	_ =	shalt  }
0x55: {  	_ =	shalt  }
0x56: {  	_ =	shalt  }
0x57: {  	_ =	shalt  }
0x58: {  	_ =	shalt  }
0x59: {  	_ =	shalt  }
0x5a: {  	_ =	shalt  }
0x5b: {  	_ =	shalt  }
0x5c: {  	_ =	shalt  }
0x5d: {  	_ =	shalt  }
0x5e: {  	_ =	shalt  }
0x5f: {  	_ =	shalt  }
0x60: {  	_ =	shalt  }
0x61: {  	_ =	shalt  }
0x62: {  	_ =	shalt  }
0x63: {  	_ =	shalt  }
0x64: {  	_ =	shalt  }
0x65: {  	_ =	shalt  }
0x66: {  	_ =	shalt  }
0x67: {  	_ =	shalt  }
0x68: {  	_ =	shalt  }
0x69: {  	_ =	shalt  }
0x6a: {  	_ =	shalt  }
0x6b: {  	_ =	shalt  }
0x6c: {  	_ =	shalt  }
0x6d: {  	_ =	shalt  }
0x6e: {  	_ =	shalt  }
0x6f: {  	_ =	shalt  }
0x70: {  	_ =	shalt  }
0x71: {  	_ =	shalt  }
0x72: {  	_ =	shalt  }
0x73: {  	_ =	shalt  }
0x74: {  	_ =	shalt  }
0x75: {  	_ =	shalt  }
0x76: {  	_ =	shalt  }
0x77: {  	_ =	shalt  }
0x78: {  	_ =	shalt  }
0x79: {  	_ =	shalt  }
0x7a: {  	_ =	shalt  }
0x7b: {  	_ =	shalt  }
0x7c: {  	_ =	shalt  }
0x7d: {  	_ =	shalt  }
0x7e: {  	_ =	shalt  }
0x7f: {  	_ =	shalt  }
0x80: {  	_ =	shalt  }
0x81: {  	_ =	shalt  }
0x82: {  	_ =	shalt  }
0x83: {  	_ =	shalt  }
0x84: {  	_ =	shalt  }
0x85: {  	_ =	shalt  }
0x86: {  	_ =	shalt  }
0x87: {  	_ =	shalt  }
.Lfunc_end0:
.L_simem_size_0:
called_computation_lowered:
.L_overlay_start_0:
0x88: {  	s2 =	sld [smem:$0x3FD9]  }
0x89: {  	s3 =	sld [smem:$0x3FFE];
	_ =	sdelay $0x1  }
0x8a: {  	s1 =	srdreg.scid  }
0x8b: {  	s0 =	sand.u32 $0x1, s1  }
0x8c: {  	s16 =	sshll.u32 s0, $0xA;
	s2 =	sadd.s32 s3, s2  }
0x8d: {  	s2 =	sadd.s32 s2, s16  }
0x8e: {  	s4 =	simm.s32 $0x0;
	[smem:$0x3FC7] =	sst s2  }
0x8f: {  	[smem:$0xF] =	sst s4  }
0x90: {  	s3 =	sld [smem:$0x3FC9]  }
0x91: {  	s2 =	sld [smem:$0x3FD0];
	(tm) =	ssettm $0x1  }
0x92: {  	s5 =	sld [smem:$0x3FFB];
	_ =	sdelay $0x3  }
0x93: {  	_ =	strace s5  }
0x94: {  	s5 =	sld [smem:$0x3FFC];
	_ =	sdelay $0x3  }
0x95: {  	_ =	strace s5  }
0x96: {  	s5 =	sld [smem:$0x3FFD];
	_ =	sdelay $0x2  }
0x97: {  	s17 =	simm.s32 $0x1B8B  }
0x98: {  	s18 =	simm.s32 $0x1B8E;
	s7 =	simm.s32 $0x800;
	_ =	strace s5  }
0x99: {  	s6 =	simm.s32 $0xF4280;
	s8 =	simm.s32 $0x9;
	_ =	strace $0x8FFFFFFF  }
0x9a: {  	s12 =	simm.s32 $0xA;
	s11 =	smul.u32 $0x3D0800, s0;
	_ =	swait.ge [sflag:s17], $0x1  }
0x9b: {  	s13 =	simm.s32 $0xB;
	s9 =	smul.u32 $0x7A100, s0;
	[sflag:s17] =	ssyncset.done $0x0  }
0x9c: {  	s14 =	sshrl.u32 s11, $0x3;
	s11 =	simm.s32 $0x20000;
	[sflag:s17] =	ssyncadd.s32 $0xFFFFFFFF  }
0x9d: {  	s15 =	sadd.s32 $0x8000, s14;
	s16 =	sadd.s32 $0x10000, s14;
	[smem:$0x3FD2] =	sst s18  }
0x9e: {  	s10 =	sadd.s32 s9, s3;
	s5 =	simm.s32 $0x8000;
	_ =	strace $0x80000046  }
0x9f: {  	[spmem:s4@s5], [sflag:s8] =	dma.strided [hbm:s10@s6], $0x10000, s7, $0x10   }
0xa0: {  	s19 =	sadd.s32 s15, s3;
	s17 =	sadd.s32 s16, s3;
	s10 =	simm.s32 $0x10000  }
0xa1: {  	[spmem:s10@s5], [sflag:s12] =	dma.strided [hbm:s19@s6], $0x10000, s7, $0x10   }
0xa2: {  	[spmem:s11@s5], [sflag:s13] =	dma.strided [hbm:s17@s6], $0x10000, s7, $0x10   }
0xa3: {  	_ =	swait.ge [sflag:s8], $0x10000  }
0xa4: {  	[sflag:s8] =	ssyncset.done $0x0  }
0xa5: {  	[sflag:s8] =	ssyncadd.s32 $0xFFFF0000  }
0xa6: {  	s20 =	sadd.s32 s9, s2;
	s9 =	simm.s32 $0xC  }
0xa7: {  	[hbm:s20@s6], [sflag:s9] =	dma.strided [spmem:s4@s5], $0x10000, s7, $0x10   }
0xa8: {  	_ =	swait.ge [sflag:s9], $0x10000  }
0xa9: {  	[sflag:s9] =	ssyncset.done $0x0  }
0xaa: {  	s21 =	sadd.s32 $0x18000, s14;
	[sflag:s9] =	ssyncadd.s32 $0xFFFF0000  }
0xab: {  	s18 =	sadd.s32 s21, s3  }
0xac: {  	[spmem:s4@s5], [sflag:s8] =	dma.strided [hbm:s18@s6], $0x10000, s7, $0x10   }
0xad: {  	_ =	swait.ge [sflag:s12], $0x10000  }
0xae: {  	[sflag:s12] =	ssyncset.done $0x0  }
0xaf: {  	[sflag:s12] =	ssyncadd.s32 $0xFFFF0000  }
0xb0: {  	s22 =	sadd.s32 s15, s2;
	s15 =	simm.s32 $0xD  }
0xb1: {  	[hbm:s22@s6], [sflag:s15] =	dma.strided [spmem:s10@s5], $0x10000, s7, $0x10   }
0xb2: {  	_ =	swait.ge [sflag:s15], $0x10000  }
0xb3: {  	[sflag:s15] =	ssyncset.done $0x0  }
0xb4: {  	s23 =	sadd.s32 $0x20000, s14;
	[sflag:s15] =	ssyncadd.s32 $0xFFFF0000  }
0xb5: {  	s19 =	sadd.s32 s23, s3  }
0xb6: {  	[spmem:s10@s5], [sflag:s12] =	dma.strided [hbm:s19@s6], $0x10000, s7, $0x10   }
0xb7: {  	_ =	swait.ge [sflag:s13], $0x10000  }
0xb8: {  	[sflag:s13] =	ssyncset.done $0x0  }
0xb9: {  	[sflag:s13] =	ssyncadd.s32 $0xFFFF0000  }
0xba: {  	s24 =	sadd.s32 s16, s2;
	s16 =	simm.s32 $0xE  }
0xbb: {  	[hbm:s24@s6], [sflag:s16] =	dma.strided [spmem:s11@s5], $0x10000, s7, $0x10   }
0xbc: {  	_ =	swait.ge [sflag:s16], $0x10000  }
0xbd: {  	[sflag:s16] =	ssyncset.done $0x0  }
0xbe: {  	s25 =	sadd.s32 $0x28000, s14;
	[sflag:s16] =	ssyncadd.s32 $0xFFFF0000  }
0xbf: {  	s20 =	sadd.s32 s25, s3  }
0xc0: {  	[spmem:s11@s5], [sflag:s13] =	dma.strided [hbm:s20@s6], $0x10000, s7, $0x10   }
0xc1: {  	_ =	swait.ge [sflag:s8], $0x10000  }
0xc2: {  	[sflag:s8] =	ssyncset.done $0x0  }
0xc3: {  	[sflag:s8] =	ssyncadd.s32 $0xFFFF0000  }
0xc4: {  	s17 =	sadd.s32 s21, s2  }
0xc5: {  	[hbm:s17@s6], [sflag:s9] =	dma.strided [spmem:s4@s5], $0x10000, s7, $0x10   }
0xc6: {  	_ =	swait.ge [sflag:s9], $0x10000  }
0xc7: {  	[sflag:s9] =	ssyncset.done $0x0  }
0xc8: {  	s26 =	sadd.s32 $0x30000, s14;
	[sflag:s9] =	ssyncadd.s32 $0xFFFF0000  }
0xc9: {  	s28 =	sadd.s32 s26, s3  }
0xca: {  	[spmem:s4@s5], [sflag:s8] =	dma.strided [hbm:s28@s6], $0x10000, s7, $0x10   }
0xcb: {  	_ =	swait.ge [sflag:s12], $0x10000  }
0xcc: {  	[sflag:s12] =	ssyncset.done $0x0  }
0xcd: {  	[sflag:s12] =	ssyncadd.s32 $0xFFFF0000  }
0xce: {  	s18 =	sadd.s32 s23, s2  }
0xcf: {  	[hbm:s18@s6], [sflag:s15] =	dma.strided [spmem:s10@s5], $0x10000, s7, $0x10   }
0xd0: {  	_ =	swait.ge [sflag:s15], $0x10000  }
0xd1: {  	[sflag:s15] =	ssyncset.done $0x0  }
0xd2: {  	s29 =	sadd.s32 $0x38000, s14;
	[sflag:s15] =	ssyncadd.s32 $0xFFFF0000  }
0xd3: {  	s30 =	sadd.s32 s29, s3  }
0xd4: {  	[spmem:s10@s5], [sflag:s12] =	dma.strided [hbm:s30@s6], $0x10000, s7, $0x10   }
0xd5: {  	_ =	swait.ge [sflag:s13], $0x10000  }
0xd6: {  	[sflag:s13] =	ssyncset.done $0x0  }
0xd7: {  	[sflag:s13] =	ssyncadd.s32 $0xFFFF0000  }
0xd8: {  	s19 =	sadd.s32 s25, s2  }
0xd9: {  	[hbm:s19@s6], [sflag:s16] =	dma.strided [spmem:s11@s5], $0x10000, s7, $0x10   }
0xda: {  	_ =	swait.ge [sflag:s16], $0x10000  }
0xdb: {  	[sflag:s16] =	ssyncset.done $0x0  }
0xdc: {  	s31 =	sadd.s32 $0x40000, s14;
	[sflag:s16] =	ssyncadd.s32 $0xFFFF0000  }
0xdd: {  	s21 =	sadd.s32 s31, s3  }
0xde: {  	[spmem:s11@s5], [sflag:s13] =	dma.strided [hbm:s21@s6], $0x10000, s7, $0x10   }
0xdf: {  	_ =	swait.ge [sflag:s8], $0x10000  }
0xe0: {  	[sflag:s8] =	ssyncset.done $0x0  }
0xe1: {  	[sflag:s8] =	ssyncadd.s32 $0xFFFF0000  }
0xe2: {  	s17 =	sadd.s32 s26, s2  }
0xe3: {  	[hbm:s17@s6], [sflag:s9] =	dma.strided [spmem:s4@s5], $0x10000, s7, $0x10   }
0xe4: {  	_ =	swait.ge [sflag:s9], $0x10000  }
0xe5: {  	[sflag:s9] =	ssyncset.done $0x0  }
0xe6: {  	s22 =	sadd.s32 $0x48000, s14;
	[sflag:s9] =	ssyncadd.s32 $0xFFFF0000  }
0xe7: {  	s23 =	sadd.s32 s22, s3  }
0xe8: {  	[spmem:s4@s5], [sflag:s8] =	dma.strided [hbm:s23@s6], $0x10000, s7, $0x10   }
0xe9: {  	_ =	swait.ge [sflag:s12], $0x10000  }
0xea: {  	[sflag:s12] =	ssyncset.done $0x0  }
0xeb: {  	[sflag:s12] =	ssyncadd.s32 $0xFFFF0000  }
0xec: {  	s18 =	sadd.s32 s29, s2  }
0xed: {  	[hbm:s18@s6], [sflag:s15] =	dma.strided [spmem:s10@s5], $0x10000, s7, $0x10   }
0xee: {  	_ =	swait.ge [sflag:s15], $0x10000  }
0xef: {  	[sflag:s15] =	ssyncset.done $0x0  }
0xf0: {  	s24 =	sadd.s32 $0x50000, s14;
	[sflag:s15] =	ssyncadd.s32 $0xFFFF0000  }
0xf1: {  	s25 =	sadd.s32 s24, s3  }
0xf2: {  	[spmem:s10@s5], [sflag:s12] =	dma.strided [hbm:s25@s6], $0x10000, s7, $0x10   }
0xf3: {  	_ =	swait.ge [sflag:s13], $0x10000  }
0xf4: {  	[sflag:s13] =	ssyncset.done $0x0  }
0xf5: {  	[sflag:s13] =	ssyncadd.s32 $0xFFFF0000  }
0xf6: {  	s19 =	sadd.s32 s31, s2  }
0xf7: {  	[hbm:s19@s6], [sflag:s16] =	dma.strided [spmem:s11@s5], $0x10000, s7, $0x10   }
0xf8: {  	_ =	swait.ge [sflag:s16], $0x10000  }
0xf9: {  	[sflag:s16] =	ssyncset.done $0x0  }
0xfa: {  	s26 =	sadd.s32 $0x58000, s14;
	[sflag:s16] =	ssyncadd.s32 $0xFFFF0000  }
0xfb: {  	s28 =	sadd.s32 s26, s3  }
0xfc: {  	[spmem:s11@s5], [sflag:s13] =	dma.strided [hbm:s28@s6], $0x10000, s7, $0x10   }
0xfd: {  	_ =	swait.ge [sflag:s8], $0x10000  }
0xfe: {  	[sflag:s8] =	ssyncset.done $0x0  }
0xff: {  	[sflag:s8] =	ssyncadd.s32 $0xFFFF0000  }
0x100: {  	s17 =	sadd.s32 s22, s2  }
0x101: {  	[hbm:s17@s6], [sflag:s9] =	dma.strided [spmem:s4@s5], $0x10000, s7, $0x10   }
0x102: {  	_ =	swait.ge [sflag:s9], $0x10000  }
0x103: {  	[sflag:s9] =	ssyncset.done $0x0  }
0x104: {  	s29 =	sadd.s32 $0x60000, s14;
	[sflag:s9] =	ssyncadd.s32 $0xFFFF0000  }
0x105: {  	s30 =	sadd.s32 s29, s3  }
0x106: {  	[spmem:s4@s5], [sflag:s8] =	dma.strided [hbm:s30@s6], $0x10000, s7, $0x10   }
0x107: {  	_ =	swait.ge [sflag:s12], $0x10000  }
0x108: {  	[sflag:s12] =	ssyncset.done $0x0  }
0x109: {  	[sflag:s12] =	ssyncadd.s32 $0xFFFF0000  }
0x10a: {  	s18 =	sadd.s32 s24, s2  }
0x10b: {  	[hbm:s18@s6], [sflag:s15] =	dma.strided [spmem:s10@s5], $0x10000, s7, $0x10   }
0x10c: {  	_ =	swait.ge [sflag:s15], $0x10000  }
0x10d: {  	[sflag:s15] =	ssyncset.done $0x0  }
0x10e: {  	s31 =	sadd.s32 $0x68000, s14;
	[sflag:s15] =	ssyncadd.s32 $0xFFFF0000  }
0x10f: {  	s21 =	sadd.s32 s31, s3  }
0x110: {  	[spmem:s10@s5], [sflag:s12] =	dma.strided [hbm:s21@s6], $0x10000, s7, $0x10   }
0x111: {  	_ =	swait.ge [sflag:s13], $0x10000  }
0x112: {  	[sflag:s13] =	ssyncset.done $0x0  }
0x113: {  	[sflag:s13] =	ssyncadd.s32 $0xFFFF0000  }
0x114: {  	s19 =	sadd.s32 s26, s2  }
0x115: {  	[hbm:s19@s6], [sflag:s16] =	dma.strided [spmem:s11@s5], $0x10000, s7, $0x10   }
0x116: {  	_ =	swait.ge [sflag:s16], $0x10000  }
0x117: {  	[sflag:s16] =	ssyncset.done $0x0  }
0x118: {  	s22 =	sadd.s32 $0x70000, s14;
	[sflag:s16] =	ssyncadd.s32 $0xFFFF0000  }
0x119: {  	s23 =	sadd.s32 s22, s3  }
0x11a: {  	[spmem:s11@s5], [sflag:s13] =	dma.strided [hbm:s23@s6], $0x10000, s7, $0x10   }
0x11b: {  	_ =	swait.ge [sflag:s8], $0x10000  }
0x11c: {  	[sflag:s8] =	ssyncset.done $0x0  }
0x11d: {  	[sflag:s8] =	ssyncadd.s32 $0xFFFF0000  }
0x11e: {  	s17 =	sadd.s32 s29, s2  }
0x11f: {  	[hbm:s17@s6], [sflag:s9] =	dma.strided [spmem:s4@s5], $0x10000, s7, $0x10   }
0x120: {  	_ =	swait.ge [sflag:s9], $0x10000  }
0x121: {  	[sflag:s9] =	ssyncset.done $0x0  }
0x122: {  	s14 =	sadd.s32 $0x78000, s14;
	[sflag:s9] =	ssyncadd.s32 $0xFFFF0000  }
0x123: {  	s24 =	sadd.s32 s14, s3;
	s25 =	simm.s32 $0x210  }
0x124: {  	[spmem:s4@s5], [sflag:s8] =	dma.strided [hbm:s24@s6], $0x4200, s25, $0x10   }
0x125: {  	_ =	swait.ge [sflag:s12], $0x10000  }
0x126: {  	[sflag:s12] =	ssyncset.done $0x0  }
0x127: {  	[sflag:s12] =	ssyncadd.s32 $0xFFFF0000  }
0x128: {  	s26 =	sadd.s32 s31, s2  }
0x129: {  	[hbm:s26@s6], [sflag:s15] =	dma.strided [spmem:s10@s5], $0x10000, s7, $0x10   }
0x12a: {  	_ =	swait.ge [sflag:s13], $0x10000  }
0x12b: {  	[sflag:s13] =	ssyncset.done $0x0  }
0x12c: {  	[sflag:s13] =	ssyncadd.s32 $0xFFFF0000  }
0x12d: {  	s28 =	sadd.s32 s22, s2  }
0x12e: {  	[hbm:s28@s6], [sflag:s16] =	dma.strided [spmem:s11@s5], $0x10000, s7, $0x10   }
0x12f: {  	_ =	swait.ge [sflag:s8], $0x4200  }
0x130: {  	[sflag:s8] =	ssyncset.done $0x0  }
0x131: {  	[sflag:s8] =	ssyncadd.s32 $0xFFFFBE00  }
0x132: {  	s29 =	sadd.s32 s14, s2  }
0x133: {  	[hbm:s29@s6], [sflag:s9] =	dma.strided [spmem:s4@s5], $0x4200, s25, $0x10   }
0x134: {  	_ =	swait.ge [sflag:s15], $0x10000  }
0x135: {  	[sflag:s15] =	ssyncset.done $0x0  }
0x136: {  	[sflag:s15] =	ssyncadd.s32 $0xFFFF0000;
	_ =	sdelay $0x2  }
0x137: {  	_ =	swait.ge [sflag:s16], $0x10000  }
0x138: {  	[sflag:s16] =	ssyncset.done $0x0  }
0x139: {  	[sflag:s16] =	ssyncadd.s32 $0xFFFF0000;
	_ =	sdelay $0x2  }
0x13a: {  	p0 =	seq.s32 s0, $0x0;
	_ =	swait.ge [sflag:s9], $0x4200  }
0x13b: {  	s3 =	sadd.s32 @!p0 $0xF4200, s3;
	[sflag:s9] =	ssyncset.done $0x0  }
0x13c: {  	s7 =	simm.s32 @!p0 $0x10;
	s8 =	simm.s32 @!p0 $0x30000;
	[sflag:s9] =	ssyncadd.s32 $0xFFFFBE00  }
0x13d: {  	s4 =	simm.s32 @!p0 $0x8;
	s5 =	simm.s32 @!p0 $0x80;
	s6 =	simm.s32 @!p0 $0xF4280  }
0x13e: {  	[spmem:s8@s5], [sflag:s7] =	dma.strided @!p0 [hbm:s3@s6], $0x100, s4, $0x10   }
0x13f: {  	_ =	swait.ge @!p0 [sflag:s7], $0x100  }
0x140: {  	[sflag:s7] =	ssyncset.done @!p0 $0x0  }
0x141: {  	[sflag:s7] =	ssyncadd.s32 @!p0 $0xFFFFFF00  }
0x142: {  	s2 =	sadd.s32 @!p0 $0xF4200, s2;
	s3 =	simm.s32 @!p0 $0xF  }
0x143: {  	[hbm:s2@s6], [sflag:s3] =	dma.strided @!p0 [spmem:s8@s5], $0x100, s4, $0x10   }
0x144: {  	_ =	swait.ge @!p0 [sflag:s3], $0x100  }
0x145: {  	[sflag:s3] =	ssyncset.done @!p0 $0x0  }
0x146: {  	[sflag:s3] =	ssyncadd.s32 @!p0 $0xFFFFFF00  }
0x147: {  	_ =	strace $0x90000046  }
0x148: {  	_ =	sfence  }
0x149: {  	s30 =	sld [smem:$0x0];
	_ =	sdelay $0x2  }
0x14a: {  	s31 =	sshll.u32 s1, $0xD;
	s1 =	sshrl.u32 s1, $0x2  }
0x14b: {  	s3 =	sand.u32 $0x4000, s31;
	s1 =	sadd.s32 s1, s30  }
0x14c: {  	s0 =	sor.u32 s3, s0;
	s1 =	sshll.u32 s1, $0x11  }
0x14d: {  	s0 =	sor.u32 s1, s0  }
0x14e: {  	s0 =	sadd.s32 $0x8F2B, s0;
	(pc) =	sbr.abs _section_cstart, $3  }
0x14f: {  	[sflag:s0] =	ssyncadd.remote.s32 $0x1  }
0x150: {  	_ =	strace $0x9FFFFFFF  }
0x151: {  	(tm) =	ssettm $0x7FFFFFFF  }

</sc_bundles>
